<compile_context>
chip_gen: v7x
topology: tpu7x:2x2x1
jax: 0.10.2.dev20260603
libtpu: 0.0.44.dev20260713+nightly
codegen_flags: <defaults>
</compile_context>

<pallas_src>
import functools

import jax
import jax.numpy as jnp
from jax import lax
from jax.experimental import pallas as pl
from jax.experimental.pallas import tpu as pltpu
from jax.experimental.pallas import tpu_sc as plsc

NUM_USERS = 1000000
NUM_ITEMS = 100000
EMB_DIM = 64
BATCH = 16384

NC, NS, L = 2, 16, 16
DH = EMB_DIM // NC
SLAB = 8
NSLAB = DH // SLAB
RW = 131072
TW = 8192
NRND = 8
ACLAMP = 991744
TB2 = 999936
NT2 = NUM_USERS - TB2
CAP = 256
SCH = 2048
OUTW = 16512


def _body(user_hbm, item_hbm, uT_hbm, iflat_hbm, ub_hbm, utail_hbm,
          out_hbm,
          scan_u, scan_i, uloc_v, ilist_v, posl_v, acc_v, ival_v,
          gidx16_v, gidx2_v, row_v, tail_v, sem):
    c = lax.axis_index("c")
    s = lax.axis_index("s")
    d0 = c * DH

    pltpu.sync_copy(utail_hbm, tail_v)

    def prefill(q, _):
        sl = pl.ds(q * L, L)
        z = jnp.zeros((L,), jnp.int32)
        uloc_v[sl] = z
        ilist_v[sl] = z
        posl_v[sl] = z + BATCH
        return _

    lax.fori_loop(0, NRND * CAP // L, prefill, None)

    def scan_chunk(ch, ns):
        pltpu.sync_copy(user_hbm.at[pl.ds(ch * (SCH // 128), SCH // 128)],
                        scan_u)
        pltpu.sync_copy(item_hbm.at[pl.ds(ch * (SCH // 128), SCH // 128)],
                        scan_i)

        def group(g, ns):
            rr = g // 8
            co = (g % 8) * L
            u = scan_u[rr, pl.ds(co, L)]
            it = scan_i[rr, pl.ds(co, L)]
            r = lax.shift_right_logical(u, 17)
            tloc = jnp.bitwise_and(lax.shift_right_logical(u, 13), NS - 1)
            abase = jnp.minimum(r * RW + s * TW, ACLAMP)
            rel = u - abase
            mt = tloc == s
            posg = ch * SCH + g * L + lax.iota(jnp.int32, L)
            new_ns = []
            for q in range(NRND):
                n = ns[q]
                m = jnp.logical_and(mt, r == q)
                nn = jnp.minimum(n, CAP - L) + q * CAP
                plsc.store_compressed(uloc_v.at[pl.ds(nn, L)], rel, mask=m)
                plsc.store_compressed(ilist_v.at[pl.ds(nn, L)], it, mask=m)
                plsc.store_compressed(posl_v.at[pl.ds(nn, L)], posg, mask=m)
                pc = plsc.all_reduce_population_count(m)
                new_ns.append(jnp.minimum(n + jnp.max(pc), CAP - L))
            return tuple(new_ns)

        return lax.fori_loop(0, SCH // L, group, ns)

    lax.fori_loop(0, BATCH // SCH, scan_chunk,
                  tuple(jnp.int32(0) for _ in range(NRND)))

    core0 = jnp.where(c == 0, 1.0, 0.0).astype(jnp.float32)
    ib_off = EMB_DIM * NUM_ITEMS

    def seed_round(q, _):
        abase = jnp.minimum(q * RW + s * TW, ACLAMP)

        def mk_u(j, _):
            sl = pl.ds((j % 8) * L, L)
            gidx2_v[j // 8, sl] = uloc_v[pl.ds(q * CAP + j * L, L)] + abase
            return _

        lax.fori_loop(0, CAP // L, mk_u, None)
        cps = [pltpu.async_copy(ub_hbm.at[gidx2_v.at[j]],
                                acc_v.at[pl.ds(q * CAP + j * 128, 128)], sem)
               for j in range(CAP // 128)]
        for cp in cps:
            cp.wait()

        def mk_i(j, _):
            sl = pl.ds((j % 8) * L, L)
            gidx2_v[j // 8, sl] = ilist_v[pl.ds(q * CAP + j * L, L)] + ib_off
            return _

        lax.fori_loop(0, CAP // L, mk_i, None)
        cps = [pltpu.async_copy(iflat_hbm.at[gidx2_v.at[j]],
                                ival_v.at[pl.ds(j * 128, 128)], sem)
               for j in range(CAP // 128)]
        for cp in cps:
            cp.wait()

        def sd(j, _):
            sl = pl.ds(q * CAP + j * L, L)
            acc_v[sl] = (acc_v[sl] + ival_v[pl.ds(j * L, L)]) * core0
            return _

        lax.fori_loop(0, CAP // L, sd, None)
        return _

    lax.fori_loop(0, NRND, seed_round, None)

    def slab_round(srq, _):
        sb = srq // NRND
        q = srq % NRND
        dbase = d0 + sb * SLAB
        abase = jnp.minimum(q * RW + s * TW, ACLAMP)

        def mk_idx(j, _):
            dd = j // 16
            h = (j // 8) % 2
            sl = pl.ds((j % 8) * L, L)
            gidx16_v[j // 8, sl] = (
                ilist_v[pl.ds(q * CAP + h * 128 + (j % 8) * L, L)]
                + (dbase + dd) * NUM_ITEMS)
            return _

        lax.fori_loop(0, SLAB * CAP // L, mk_idx, None)
        cps = [pltpu.async_copy(iflat_hbm.at[gidx16_v.at[j]],
                                ival_v.at[pl.ds(j * 128, 128)], sem)
               for j in range(SLAB * CAP // 128)]
        pltpu.sync_copy(uT_hbm.at[pl.ds(dbase, SLAB), pl.ds(abase, TW)],
                        row_v)
        for cp in cps:
            cp.wait()

        def mac_d(dd, _):
            drow = jnp.full((L,), dd, jnp.int32)
            tb = jnp.full((L,), (dbase + dd) * NT2, jnp.int32)

            def mac(g, _):
                sl = pl.ds(q * CAP + g * L, L)
                rel = uloc_v[sl]
                uv = plsc.load_gather(
                    row_v, [drow, jnp.minimum(rel, TW - 1)])
                toff = rel - TW
                tv = plsc.load_gather(tail_v, [tb + jnp.maximum(toff, 0)])
                uv = jnp.where(toff >= 0, tv, uv)
                acc_v[sl] = (acc_v[sl]
                             + uv * ival_v[pl.ds(dd * CAP + g * L, L)])
                return _

            lax.fori_loop(0, CAP // L, mac, None)
            return _

        lax.fori_loop(0, SLAB, mac_d, None)
        return _

    lax.fori_loop(0, NSLAB * NRND, slab_round, None)

    off = c * OUTW

    def scat_round(q, _):
        def mk_p(j, _):
            sl = pl.ds((j % 8) * L, L)
            gidx2_v[j // 8, sl] = posl_v[pl.ds(q * CAP + j * L, L)] + off
            return _

        lax.fori_loop(0, CAP // L, mk_p, None)
        cps = [pltpu.async_copy(acc_v.at[pl.ds(q * CAP + j * 128, 128)],
                                out_hbm.at[gidx2_v.at[j]], sem)
               for j in range(CAP // 128)]
        for cp in cps:
            cp.wait()
        return _

    lax.fori_loop(0, NRND, scat_round, None)


@functools.partial(jax.jit, static_argnames=())
def kernel(user, item, user_emb, item_emb, user_bias, item_bias, global_bias):
    user2d = user.reshape(BATCH // 128, 128)
    item2d = item.reshape(BATCH // 128, 128)
    uT = user_emb.T
    iaug = jnp.concatenate(
        [item_emb.T, item_bias.reshape(1, NUM_ITEMS)], axis=0).reshape(-1)
    ub1d = user_bias.reshape(NUM_USERS) + global_bias
    utail = user_emb[TB2:].T.reshape(-1)

    run = pl.kernel(
        _body,
        out_type=jax.ShapeDtypeStruct((NC * OUTW,), jnp.float32),
        mesh=plsc.VectorSubcoreMesh(core_axis_name="c", subcore_axis_name="s",
                                    num_cores=NC, num_subcores=NS),
        scratch_types=[
            pltpu.VMEM((SCH // 128, 128), jnp.int32),
            pltpu.VMEM((SCH // 128, 128), jnp.int32),
            pltpu.VMEM((NRND * CAP,), jnp.int32),
            pltpu.VMEM((NRND * CAP,), jnp.int32),
            pltpu.VMEM((NRND * CAP,), jnp.int32),
            pltpu.VMEM((NRND * CAP,), jnp.float32),
            pltpu.VMEM((SLAB * CAP,), jnp.float32),
            pltpu.VMEM((SLAB * CAP // 128, 128), jnp.int32),
            pltpu.VMEM((CAP // 128, 128), jnp.int32),
            pltpu.VMEM((SLAB, TW), jnp.float32),
            pltpu.VMEM((NT2 * EMB_DIM,), jnp.float32),
            pltpu.SemaphoreType.DMA,
        ],
        compiler_params=pltpu.CompilerParams(needs_layout_passes=False,
                                             use_tc_tiling_on_sc=True),
    )
    parts = run(user2d, item2d, uT, iaug, ub1d, utail)
    return parts[:BATCH] + parts[OUTW:OUTW + BATCH]

# --- scband reference (transcript-rebuilt; emitter-appended) ---
"""Pipeline reference for scband-matrix-factorization-48619029791388 (READ-ONLY COPY).

The authoritative reference and input builder live on the scoring server;
editing this copy changes nothing except your own understanding.
"""

import jax, jax.numpy as jnp
import numpy as np

NUM_USERS = 1000000
NUM_ITEMS = 100000
EMB_DIM = 64
BATCH = 16384

def setup_inputs(seed: int = 0) -> dict:
    key = jax.random.key(seed)
    k1, k2, k3, k4 = jax.random.split(key, 4)
    user = jax.random.randint(k1, (BATCH,), 0, NUM_USERS, dtype=jnp.int64 if jax.config.jax_enable_x64 else jnp.int32).astype(jnp.int32)
    item = jax.random.randint(k2, (BATCH,), 0, NUM_ITEMS, dtype=jnp.int32)
    user_emb = jax.random.normal(k3, (NUM_USERS, EMB_DIM), dtype=jnp.float32) * 0.01
    item_emb = jax.random.normal(k4, (NUM_ITEMS, EMB_DIM), dtype=jnp.float32) * 0.01
    user_bias = jnp.zeros((NUM_USERS, 1), dtype=jnp.float32)
    item_bias = jnp.zeros((NUM_ITEMS, 1), dtype=jnp.float32)
    global_bias = jnp.zeros((1,), dtype=jnp.float32)
    return {"user": user, "item": item, "user_emb": user_emb, "item_emb": item_emb, "user_bias": user_bias, "item_bias": item_bias, "global_bias": global_bias}

def reference(user, item, user_emb, item_emb, user_bias, item_bias, global_bias):
    u_emb = jnp.take(user_emb, user, axis=0)
    i_emb = jnp.take(item_emb, item, axis=0)
    interaction = jnp.sum(u_emb * i_emb, axis=1)
    u_b = jnp.squeeze(jnp.take(user_bias, user, axis=0), axis=-1)
    i_b = jnp.squeeze(jnp.take(item_bias, item, axis=0), axis=-1)
    return global_bias + u_b + i_b + interaction

if __name__ == "__main__":
    import jax
    _d = setup_inputs()
    print(jax.jit(kernel)(*tuple(_d.values())))

</pallas_src>

<mosaic_0001>
#map = affine_map<(d0, d1) -> (0, 0)>
#map1 = affine_map<(d0, d1) -> (0)>
module attributes {stable_mosaic.version = 14 : i64} {
  func.func @_body(%arg0: i32, %arg1: i32, %arg2: memref<128x128xi32, #tpu.memory_space<hbm>>, %arg3: memref<128x128xi32, #tpu.memory_space<hbm>>, %arg4: memref<64x1000000xf32, #tpu.memory_space<hbm>>, %arg5: memref<6500000xf32, #tpu.memory_space<hbm>>, %arg6: memref<1000000xf32, #tpu.memory_space<hbm>>, %arg7: memref<4096xf32, #tpu.memory_space<hbm>>, %arg8: memref<33024xf32, #tpu.memory_space<hbm>>, %arg9: memref<16x128xi32, #tpu.memory_space<vmem>>, %arg10: memref<16x128xi32, #tpu.memory_space<vmem>>, %arg11: memref<2048xi32, #tpu.memory_space<vmem>>, %arg12: memref<2048xi32, #tpu.memory_space<vmem>>, %arg13: memref<2048xi32, #tpu.memory_space<vmem>>, %arg14: memref<2048xf32, #tpu.memory_space<vmem>>, %arg15: memref<2048xf32, #tpu.memory_space<vmem>>, %arg16: memref<16x128xi32, #tpu.memory_space<vmem>>, %arg17: memref<2x128xi32, #tpu.memory_space<vmem>>, %arg18: memref<8x8192xf32, #tpu.memory_space<vmem>>, %arg19: memref<4096xf32, #tpu.memory_space<vmem>>, %arg20: memref<!tpu.dma_semaphore, #tpu.memory_space<semaphore_mem>>) attributes {dimension_semantics = [#tpu.dimension_semantics<core_parallel>, #tpu.dimension_semantics<subcore_parallel>], iteration_bounds = array<i64: 2, 16>, scalar_prefetch = 0 : i64, scratch_operands = 12 : i64, tpu.core_type = #tpu.core_type<sc_vector_subcore>, window_params = [{transform_indices = #map}, {transform_indices = #map}, {transform_indices = #map}, {transform_indices = #map1}, {transform_indices = #map1}, {transform_indices = #map1}, {transform_indices = #map1}]} {
    %mul3A = arith.constant 32 : i32
    %mul3A_0 = arith.muli %arg0, %mul3A : i32
    "tpu.region"() ({
      %run_scoped3A = tpu.sem_alloc : memref<!tpu.dma_semaphore, #tpu.memory_space<semaphore_mem>>
      tpu.enqueue_dma source(%arg7 : memref<4096xf32, #tpu.memory_space<hbm>>) target(%arg19 : memref<4096xf32, #tpu.memory_space<vmem>>) target_semaphore(%run_scoped3A : memref<!tpu.dma_semaphore, #tpu.memory_space<semaphore_mem>>)
      tpu.wait_dma2 semaphore(%run_scoped3A : memref<!tpu.dma_semaphore, #tpu.memory_space<semaphore_mem>>) src(%arg7 : memref<4096xf32, #tpu.memory_space<hbm>>) dst(%arg19 : memref<4096xf32, #tpu.memory_space<vmem>>)
      tpu.yield
    }) : () -> ()
    %scan3A = arith.constant 0 : i32
    %scan3A_1 = arith.constant 128 : i32
    %scan3A_2 = arith.addi %scan3A, %scan3A_1 : i32
    %scan3A_3 = arith.constant 1 : i32
    scf.for %scan3A_38 = %scan3A to %scan3A_2 step %scan3A_3  : i32 {
      %mul3A_39 = arith.constant 16 : i32
      %mul3A_40 = arith.muli %scan3A_38, %mul3A_39 : i32
      %broadcast_in_dim3A = arith.constant 0 : i32
      %broadcast_in_dim3A_41 = vector.broadcast %broadcast_in_dim3A : i32 to vector<16xi32>
      %swap3A = arith.index_cast %mul3A_40 : i32 to index
      %swap3A_42 = tpu.vector_load %arg11[%swap3A] {strides = array<i32>} : memref<2048xi32, #tpu.memory_space<vmem>>, vector<16xi32>,
      tpu.vector_store %arg11[%swap3A], %broadcast_in_dim3A_41 {strides = array<i32>} : memref<2048xi32, #tpu.memory_space<vmem>>, vector<16xi32>,
      %swap3A_43 = arith.index_cast %mul3A_40 : i32 to index
      %swap3A_44 = tpu.vector_load %arg12[%swap3A_43] {strides = array<i32>} : memref<2048xi32, #tpu.memory_space<vmem>>, vector<16xi32>,
      tpu.vector_store %arg12[%swap3A_43], %broadcast_in_dim3A_41 {strides = array<i32>} : memref<2048xi32, #tpu.memory_space<vmem>>, vector<16xi32>,
      %add3A = arith.constant 16384 : i32
      %add3A_45 = vector.broadcast %add3A : i32 to vector<16xi32>
      %add3A_46 = arith.addi %broadcast_in_dim3A_41, %add3A_45 : vector<16xi32>
      %swap3A_47 = arith.index_cast %mul3A_40 : i32 to index
      %swap3A_48 = tpu.vector_load %arg13[%swap3A_47] {strides = array<i32>} : memref<2048xi32, #tpu.memory_space<vmem>>, vector<16xi32>,
      tpu.vector_store %arg13[%swap3A_47], %add3A_46 {strides = array<i32>} : memref<2048xi32, #tpu.memory_space<vmem>>, vector<16xi32>,
    }
    %scan3A_4 = arith.constant 128 : i32
    %scan3A_5 = arith.constant 0 : i32
    %scan3A_6 = arith.constant 0 : i32
    %scan3A_7 = arith.constant 0 : i32
    %scan3A_8 = arith.constant 0 : i32
    %scan3A_9 = arith.constant 0 : i32
    %scan3A_10 = arith.constant 0 : i32
    %scan3A_11 = arith.constant 0 : i32
    %scan3A_12 = arith.constant 0 : i32
    %scan3A_13 = arith.constant 0 : i32
    %scan3A_14 = arith.constant 8 : i32
    %scan3A_15 = arith.addi %scan3A_13, %scan3A_14 : i32
    %scan3A_16 = arith.constant 1 : i32
    %scan3A_17:8 = scf.for %scan3A_38 = %scan3A_13 to %scan3A_15 step %scan3A_16 iter_args(%scan3A_39 = %scan3A_5, %scan3A_40 = %scan3A_6, %scan3A_41 = %scan3A_7, %scan3A_42 = %scan3A_8, %scan3A_43 = %scan3A_9, %scan3A_44 = %scan3A_10, %scan3A_45 = %scan3A_11, %scan3A_46 = %scan3A_12) -> (i32, i32, i32, i32, i32, i32, i32, i32)  : i32 {
      %mul3A_47 = arith.constant 16 : i32
      %mul3A_48 = arith.muli %scan3A_38, %mul3A_47 : i32
      "tpu.region"() ({
        %run_scoped3A = tpu.sem_alloc : memref<!tpu.dma_semaphore, #tpu.memory_space<semaphore_mem>>
        %dma_start3A = arith.constant 0 : i32
        %dma_start3A_57 = tpu.memref_slice %arg2[%mul3A_48, %dma_start3A] : memref<128x128xi32, #tpu.memory_space<hbm>> -> memref<16x128xi32, #tpu.memory_space<hbm>>
        %dma_start3A_58 = arith.constant 0 : i32
        %dma_start3A_59 = tpu.memref_slice %arg2[%mul3A_48, %dma_start3A_58] : memref<128x128xi32, #tpu.memory_space<hbm>> -> memref<16x128xi32, #tpu.memory_space<hbm>>
        tpu.enqueue_dma source(%dma_start3A_59 : memref<16x128xi32, #tpu.memory_space<hbm>>) target(%arg9 : memref<16x128xi32, #tpu.memory_space<vmem>>) target_semaphore(%run_scoped3A : memref<!tpu.dma_semaphore, #tpu.memory_space<semaphore_mem>>)
        %dma_wait3A = arith.constant 0 : i32
        %dma_wait3A_60 = tpu.memref_slice %arg2[%mul3A_48, %dma_wait3A] : memref<128x128xi32, #tpu.memory_space<hbm>> -> memref<16x128xi32, #tpu.memory_space<hbm>>
        %dma_wait3A_61 = arith.constant 0 : i32
        %dma_wait3A_62 = tpu.memref_slice %arg2[%mul3A_48, %dma_wait3A_61] : memref<128x128xi32, #tpu.memory_space<hbm>> -> memref<16x128xi32, #tpu.memory_space<hbm>>
        tpu.wait_dma2 semaphore(%run_scoped3A : memref<!tpu.dma_semaphore, #tpu.memory_space<semaphore_mem>>) src(%dma_wait3A_62 : memref<16x128xi32, #tpu.memory_space<hbm>>) dst(%arg9 : memref<16x128xi32, #tpu.memory_space<vmem>>)
        tpu.yield
      }) : () -> ()
      %mul3A_49 = arith.constant 16 : i32
      %mul3A_50 = arith.muli %scan3A_38, %mul3A_49 : i32
      "tpu.region"() ({
        %run_scoped3A = tpu.sem_alloc : memref<!tpu.dma_semaphore, #tpu.memory_space<semaphore_mem>>
        %dma_start3A = arith.constant 0 : i32
        %dma_start3A_57 = tpu.memref_slice %arg3[%mul3A_50, %dma_start3A] : memref<128x128xi32, #tpu.memory_space<hbm>> -> memref<16x128xi32, #tpu.memory_space<hbm>>
        %dma_start3A_58 = arith.constant 0 : i32
        %dma_start3A_59 = tpu.memref_slice %arg3[%mul3A_50, %dma_start3A_58] : memref<128x128xi32, #tpu.memory_space<hbm>> -> memref<16x128xi32, #tpu.memory_space<hbm>>
        tpu.enqueue_dma source(%dma_start3A_59 : memref<16x128xi32, #tpu.memory_space<hbm>>) target(%arg10 : memref<16x128xi32, #tpu.memory_space<vmem>>) target_semaphore(%run_scoped3A : memref<!tpu.dma_semaphore, #tpu.memory_space<semaphore_mem>>)
        %dma_wait3A = arith.constant 0 : i32
        %dma_wait3A_60 = tpu.memref_slice %arg3[%mul3A_50, %dma_wait3A] : memref<128x128xi32, #tpu.memory_space<hbm>> -> memref<16x128xi32, #tpu.memory_space<hbm>>
        %dma_wait3A_61 = arith.constant 0 : i32
        %dma_wait3A_62 = tpu.memref_slice %arg3[%mul3A_50, %dma_wait3A_61] : memref<128x128xi32, #tpu.memory_space<hbm>> -> memref<16x128xi32, #tpu.memory_space<hbm>>
        tpu.wait_dma2 semaphore(%run_scoped3A : memref<!tpu.dma_semaphore, #tpu.memory_space<semaphore_mem>>) src(%dma_wait3A_62 : memref<16x128xi32, #tpu.memory_space<hbm>>) dst(%arg10 : memref<16x128xi32, #tpu.memory_space<vmem>>)
        tpu.yield
      }) : () -> ()
      %scan3A_51 = arith.constant 0 : i32
      %scan3A_52 = arith.constant 128 : i32
      %scan3A_53 = arith.addi %scan3A_51, %scan3A_52 : i32
      %scan3A_54 = arith.constant 1 : i32
      %scan3A_55:8 = scf.for %scan3A_57 = %scan3A_51 to %scan3A_53 step %scan3A_54 iter_args(%scan3A_58 = %scan3A_39, %scan3A_59 = %scan3A_40, %scan3A_60 = %scan3A_41, %scan3A_61 = %scan3A_42, %scan3A_62 = %scan3A_43, %scan3A_63 = %scan3A_44, %scan3A_64 = %scan3A_45, %scan3A_65 = %scan3A_46) -> (i32, i32, i32, i32, i32, i32, i32, i32)  : i32 {
        %jit3A_66 = arith.constant 8 : i32
        %div3A = arith.divsi %scan3A_57, %jit3A_66 : i32
        %sign3A = arith.constant 0 : i32
        %sign3A_67 = arith.cmpi sgt, %scan3A_57, %sign3A : i32
        %sign3A_68 = arith.extui %sign3A_67 : i1 to i32
        %sign3A_69 = arith.constant 0 : i32
        %sign3A_70 = arith.cmpi slt, %scan3A_57, %sign3A_69 : i32
        %sign3A_71 = arith.extui %sign3A_70 : i1 to i32
        %sign3A_72 = arith.subi %sign3A_68, %sign3A_71 : i32
        %sign3A_73 = arith.constant 0 : i32
        %sign3A_74 = arith.cmpi sgt, %jit3A_66, %sign3A_73 : i32
        %sign3A_75 = arith.extui %sign3A_74 : i1 to i32
        %sign3A_76 = arith.constant 0 : i32
        %sign3A_77 = arith.cmpi slt, %jit3A_66, %sign3A_76 : i32
        %sign3A_78 = arith.extui %sign3A_77 : i1 to i32
        %sign3A_79 = arith.subi %sign3A_75, %sign3A_78 : i32
        %ne3A = arith.cmpi ne, %sign3A_72, %sign3A_79 : i32
        %rem3A = arith.remsi %scan3A_57, %jit3A_66 : i32
        %ne3A_80 = arith.constant 0 : i32
        %ne3A_81 = arith.cmpi ne, %rem3A, %ne3A_80 : i32
        %and3A = arith.andi %ne3A, %ne3A_81 : i1
        %sub3A = arith.constant 1 : i32
        %sub3A_82 = arith.subi %div3A, %sub3A : i32
        %select_n3A_83 = arith.select %and3A, %sub3A_82, %div3A : i32
        %jit3A_84 = arith.constant 8 : i32
        %eq3A_85 = arith.constant 0 : i32
        %eq3A_86 = arith.cmpi eq, %jit3A_84, %eq3A_85 : i32
        %jit3A_87 = arith.constant 1 : i32
        %select_n3A_88 = arith.select %eq3A_86, %jit3A_87, %jit3A_84 : i32
        %rem3A_89 = arith.remsi %scan3A_57, %select_n3A_88 : i32
        %ne3A_90 = arith.constant 0 : i32
        %ne3A_91 = arith.cmpi ne, %rem3A_89, %ne3A_90 : i32
        %lt3A = arith.constant 0 : i32
        %lt3A_92 = arith.cmpi slt, %rem3A_89, %lt3A : i32
        %lt3A_93 = arith.constant 0 : i32
        %lt3A_94 = arith.cmpi slt, %select_n3A_88, %lt3A_93 : i32
        %ne3A_95 = arith.xori %lt3A_92, %lt3A_94 : i1
        %and3A_96 = arith.andi %ne3A_95, %ne3A_91 : i1
        %add3A = arith.addi %rem3A_89, %select_n3A_88 : i32
        %select_n3A_97 = arith.select %and3A_96, %add3A, %rem3A_89 : i32
        %mul3A_98 = arith.constant 16 : i32
        %mul3A_99 = arith.muli %select_n3A_97, %mul3A_98 : i32
        %get3A = arith.index_cast %select_n3A_83 : i32 to index
        %get3A_100 = arith.index_cast %mul3A_99 : i32 to index
        %get3A_101 = tpu.vector_load %arg9[%get3A, %get3A_100] {strides = array<i32>} : memref<16x128xi32, #tpu.memory_space<vmem>>, vector<16xi32>,
        %get3A_102 = arith.index_cast %select_n3A_83 : i32 to index
        %get3A_103 = arith.index_cast %mul3A_99 : i32 to index
        %get3A_104 = tpu.vector_load %arg10[%get3A_102, %get3A_103] {strides = array<i32>} : memref<16x128xi32, #tpu.memory_space<vmem>>, vector<16xi32>,
        %shift_right_logical3A = arith.constant 17 : i32
        %shift_right_logical3A_105 = vector.broadcast %shift_right_logical3A : i32 to vector<16xi32>
        %shift_right_logical3A_106 = arith.shrui %get3A_101, %shift_right_logical3A_105 : vector<16xi32>
        %shift_right_logical3A_107 = arith.constant 13 : i32
        %shift_right_logical3A_108 = vector.broadcast %shift_right_logical3A_107 : i32 to vector<16xi32>
        %shift_right_logical3A_109 = arith.shrui %get3A_101, %shift_right_logical3A_108 : vector<16xi32>
        %and3A_110 = arith.constant 15 : i32
        %and3A_111 = vector.broadcast %and3A_110 : i32 to vector<16xi32>
        %and3A_112 = arith.andi %shift_right_logical3A_109, %and3A_111 : vector<16xi32>
        %mul3A_113 = arith.constant 131072 : i32
        %mul3A_114 = vector.broadcast %mul3A_113 : i32 to vector<16xi32>
        %mul3A_115 = arith.muli %shift_right_logical3A_106, %mul3A_114 : vector<16xi32>
        %mul3A_116 = arith.constant 8192 : i32
        %mul3A_117 = arith.muli %arg1, %mul3A_116 : i32
        %add3A_118 = vector.broadcast %mul3A_117 : i32 to vector<16xi32>
        %add3A_119 = arith.addi %mul3A_115, %add3A_118 : vector<16xi32>
        %min3A = arith.constant 991744 : i32
        %min3A_120 = vector.broadcast %min3A : i32 to vector<16xi32>
        %min3A_121 = arith.minsi %add3A_119, %min3A_120 : vector<16xi32>
        %sub3A_122 = arith.subi %get3A_101, %min3A_121 : vector<16xi32>
        %eq3A_123 = vector.broadcast %arg1 : i32 to vector<16xi32>
        %eq3A_124 = arith.cmpi eq, %and3A_112, %eq3A_123 : vector<16xi32>
        %mul3A_125 = arith.constant 2048 : i32
        %mul3A_126 = arith.muli %scan3A_38, %mul3A_125 : i32
        %mul3A_127 = arith.constant 16 : i32
        %mul3A_128 = arith.muli %scan3A_57, %mul3A_127 : i32
        %add3A_129 = arith.addi %mul3A_126, %mul3A_128 : i32
        %iota3A = tpu.iota {dimensions = array<i32: 0>} : vector<16xi32>
        %add3A_130 = vector.broadcast %add3A_129 : i32 to vector<16xi32>
        %add3A_131 = arith.addi %add3A_130, %iota3A : vector<16xi32>
        %eq3A_132 = arith.constant 0 : i32
        %eq3A_133 = vector.broadcast %eq3A_132 : i32 to vector<16xi32>
        %eq3A_134 = arith.cmpi eq, %shift_right_logical3A_106, %eq3A_133 : vector<16xi32>
        %and3A_135 = arith.andi %eq3A_124, %eq3A_134 : vector<16xi1>
        %min3A_136 = arith.constant 240 : i32
        %min3A_137 = arith.minsi %scan3A_58, %min3A_136 : i32
        %add3A_138 = arith.constant 0 : i32
        %add3A_139 = arith.addi %min3A_137, %add3A_138 : i32
        %swap3A = arith.index_cast %add3A_139 : i32 to index
        %swap3A_140 = tpu.vector_load %arg11[%swap3A] masked %and3A_135 {strides = array<i32>} : memref<2048xi32, #tpu.memory_space<vmem>>, vector<16xi32>, vector<16xi1>
        tpu.vector_store %arg11[%swap3A], %sub3A_122 masked %and3A_135 {strides = array<i32>} : memref<2048xi32, #tpu.memory_space<vmem>>, vector<16xi32>, vector<16xi1>
        %swap3A_141 = arith.index_cast %add3A_139 : i32 to index
        %swap3A_142 = tpu.vector_load %arg12[%swap3A_141] masked %and3A_135 {strides = array<i32>} : memref<2048xi32, #tpu.memory_space<vmem>>, vector<16xi32>, vector<16xi1>
        tpu.vector_store %arg12[%swap3A_141], %get3A_104 masked %and3A_135 {strides = array<i32>} : memref<2048xi32, #tpu.memory_space<vmem>>, vector<16xi32>, vector<16xi1>
        %swap3A_143 = arith.index_cast %add3A_139 : i32 to index
        %swap3A_144 = tpu.vector_load %arg13[%swap3A_143] masked %and3A_135 {strides = array<i32>} : memref<2048xi32, #tpu.memory_space<vmem>>, vector<16xi32>, vector<16xi1>
        tpu.vector_store %arg13[%swap3A_143], %add3A_131 masked %and3A_135 {strides = array<i32>} : memref<2048xi32, #tpu.memory_space<vmem>>, vector<16xi32>, vector<16xi1>
        %all_reduce_population_count3A = tpu.all_reduce %and3A_135 {dim = 0 : i64, kind = #tpu.reduction_kind<sum>} : vector<16xi1> -> vector<16xi32>
        %reduce_max3A = arith.constant true
        %reduce_max3A_145 = vector.broadcast %reduce_max3A : i1 to vector<16xi1>
        %reduce_max3A_146 = arith.constant -2147483648 : i32
        %reduce_max3A_147 = vector.broadcast %reduce_max3A_146 : i32 to vector<16xi32>
        %reduce_max3A_148 = arith.xori %all_reduce_population_count3A, %reduce_max3A_147 : vector<16xi32>
        %reduce_max3A_149 = tpu.scan <max>, %reduce_max3A_148 masked %reduce_max3A_145 : vector<16xi32>, vector<16xi1> -> vector<16xi32>
        %reduce_max3A_150 = arith.xori %reduce_max3A_149, %reduce_max3A_147 : vector<16xi32>
        %reduce_max3A_151 = vector.extract %reduce_max3A_150[15] : i32 from vector<16xi32>
        %add3A_152 = arith.addi %scan3A_58, %reduce_max3A_151 : i32
        %min3A_153 = arith.constant 240 : i32
        %min3A_154 = arith.minsi %add3A_152, %min3A_153 : i32
        %eq3A_155 = arith.constant 1 : i32
        %eq3A_156 = vector.broadcast %eq3A_155 : i32 to vector<16xi32>
        %eq3A_157 = arith.cmpi eq, %shift_right_logical3A_106, %eq3A_156 : vector<16xi32>
        %and3A_158 = arith.andi %eq3A_124, %eq3A_157 : vector<16xi1>
        %min3A_159 = arith.constant 240 : i32
        %min3A_160 = arith.minsi %scan3A_59, %min3A_159 : i32
        %add3A_161 = arith.constant 256 : i32
        %add3A_162 = arith.addi %min3A_160, %add3A_161 : i32
        %swap3A_163 = arith.index_cast %add3A_162 : i32 to index
        %swap3A_164 = tpu.vector_load %arg11[%swap3A_163] masked %and3A_158 {strides = array<i32>} : memref<2048xi32, #tpu.memory_space<vmem>>, vector<16xi32>, vector<16xi1>
        tpu.vector_store %arg11[%swap3A_163], %sub3A_122 masked %and3A_158 {strides = array<i32>} : memref<2048xi32, #tpu.memory_space<vmem>>, vector<16xi32>, vector<16xi1>
        %swap3A_165 = arith.index_cast %add3A_162 : i32 to index
        %swap3A_166 = tpu.vector_load %arg12[%swap3A_165] masked %and3A_158 {strides = array<i32>} : memref<2048xi32, #tpu.memory_space<vmem>>, vector<16xi32>, vector<16xi1>
        tpu.vector_store %arg12[%swap3A_165], %get3A_104 masked %and3A_158 {strides = array<i32>} : memref<2048xi32, #tpu.memory_space<vmem>>, vector<16xi32>, vector<16xi1>
        %swap3A_167 = arith.index_cast %add3A_162 : i32 to index
        %swap3A_168 = tpu.vector_load %arg13[%swap3A_167] masked %and3A_158 {strides = array<i32>} : memref<2048xi32, #tpu.memory_space<vmem>>, vector<16xi32>, vector<16xi1>
        tpu.vector_store %arg13[%swap3A_167], %add3A_131 masked %and3A_158 {strides = array<i32>} : memref<2048xi32, #tpu.memory_space<vmem>>, vector<16xi32>, vector<16xi1>
        %all_reduce_population_count3A_169 = tpu.all_reduce %and3A_158 {dim = 0 : i64, kind = #tpu.reduction_kind<sum>} : vector<16xi1> -> vector<16xi32>
        %reduce_max3A_170 = arith.constant true
        %reduce_max3A_171 = vector.broadcast %reduce_max3A_170 : i1 to vector<16xi1>
        %reduce_max3A_172 = arith.constant -2147483648 : i32
        %reduce_max3A_173 = vector.broadcast %reduce_max3A_172 : i32 to vector<16xi32>
        %reduce_max3A_174 = arith.xori %all_reduce_population_count3A_169, %reduce_max3A_173 : vector<16xi32>
        %reduce_max3A_175 = tpu.scan <max>, %reduce_max3A_174 masked %reduce_max3A_171 : vector<16xi32>, vector<16xi1> -> vector<16xi32>
        %reduce_max3A_176 = arith.xori %reduce_max3A_175, %reduce_max3A_173 : vector<16xi32>
        %reduce_max3A_177 = vector.extract %reduce_max3A_176[15] : i32 from vector<16xi32>
        %add3A_178 = arith.addi %scan3A_59, %reduce_max3A_177 : i32
        %min3A_179 = arith.constant 240 : i32
        %min3A_180 = arith.minsi %add3A_178, %min3A_179 : i32
        %eq3A_181 = arith.constant 2 : i32
        %eq3A_182 = vector.broadcast %eq3A_181 : i32 to vector<16xi32>
        %eq3A_183 = arith.cmpi eq, %shift_right_logical3A_106, %eq3A_182 : vector<16xi32>
        %and3A_184 = arith.andi %eq3A_124, %eq3A_183 : vector<16xi1>
        %min3A_185 = arith.constant 240 : i32
        %min3A_186 = arith.minsi %scan3A_60, %min3A_185 : i32
        %add3A_187 = arith.constant 512 : i32
        %add3A_188 = arith.addi %min3A_186, %add3A_187 : i32
        %swap3A_189 = arith.index_cast %add3A_188 : i32 to index
        %swap3A_190 = tpu.vector_load %arg11[%swap3A_189] masked %and3A_184 {strides = array<i32>} : memref<2048xi32, #tpu.memory_space<vmem>>, vector<16xi32>, vector<16xi1>
        tpu.vector_store %arg11[%swap3A_189], %sub3A_122 masked %and3A_184 {strides = array<i32>} : memref<2048xi32, #tpu.memory_space<vmem>>, vector<16xi32>, vector<16xi1>
        %swap3A_191 = arith.index_cast %add3A_188 : i32 to index
        %swap3A_192 = tpu.vector_load %arg12[%swap3A_191] masked %and3A_184 {strides = array<i32>} : memref<2048xi32, #tpu.memory_space<vmem>>, vector<16xi32>, vector<16xi1>
        tpu.vector_store %arg12[%swap3A_191], %get3A_104 masked %and3A_184 {strides = array<i32>} : memref<2048xi32, #tpu.memory_space<vmem>>, vector<16xi32>, vector<16xi1>
        %swap3A_193 = arith.index_cast %add3A_188 : i32 to index
        %swap3A_194 = tpu.vector_load %arg13[%swap3A_193] masked %and3A_184 {strides = array<i32>} : memref<2048xi32, #tpu.memory_space<vmem>>, vector<16xi32>, vector<16xi1>
        tpu.vector_store %arg13[%swap3A_193], %add3A_131 masked %and3A_184 {strides = array<i32>} : memref<2048xi32, #tpu.memory_space<vmem>>, vector<16xi32>, vector<16xi1>
        %all_reduce_population_count3A_195 = tpu.all_reduce %and3A_184 {dim = 0 : i64, kind = #tpu.reduction_kind<sum>} : vector<16xi1> -> vector<16xi32>
        %reduce_max3A_196 = arith.constant true
        %reduce_max3A_197 = vector.broadcast %reduce_max3A_196 : i1 to vector<16xi1>
        %reduce_max3A_198 = arith.constant -2147483648 : i32
        %reduce_max3A_199 = vector.broadcast %reduce_max3A_198 : i32 to vector<16xi32>
        %reduce_max3A_200 = arith.xori %all_reduce_population_count3A_195, %reduce_max3A_199 : vector<16xi32>
        %reduce_max3A_201 = tpu.scan <max>, %reduce_max3A_200 masked %reduce_max3A_197 : vector<16xi32>, vector<16xi1> -> vector<16xi32>
        %reduce_max3A_202 = arith.xori %reduce_max3A_201, %reduce_max3A_199 : vector<16xi32>
        %reduce_max3A_203 = vector.extract %reduce_max3A_202[15] : i32 from vector<16xi32>
        %add3A_204 = arith.addi %scan3A_60, %reduce_max3A_203 : i32
        %min3A_205 = arith.constant 240 : i32
        %min3A_206 = arith.minsi %add3A_204, %min3A_205 : i32
        %eq3A_207 = arith.constant 3 : i32
        %eq3A_208 = vector.broadcast %eq3A_207 : i32 to vector<16xi32>
        %eq3A_209 = arith.cmpi eq, %shift_right_logical3A_106, %eq3A_208 : vector<16xi32>
        %and3A_210 = arith.andi %eq3A_124, %eq3A_209 : vector<16xi1>
        %min3A_211 = arith.constant 240 : i32
        %min3A_212 = arith.minsi %scan3A_61, %min3A_211 : i32
        %add3A_213 = arith.constant 768 : i32
        %add3A_214 = arith.addi %min3A_212, %add3A_213 : i32
        %swap3A_215 = arith.index_cast %add3A_214 : i32 to index
        %swap3A_216 = tpu.vector_load %arg11[%swap3A_215] masked %and3A_210 {strides = array<i32>} : memref<2048xi32, #tpu.memory_space<vmem>>, vector<16xi32>, vector<16xi1>
        tpu.vector_store %arg11[%swap3A_215], %sub3A_122 masked %and3A_210 {strides = array<i32>} : memref<2048xi32, #tpu.memory_space<vmem>>, vector<16xi32>, vector<16xi1>
        %swap3A_217 = arith.index_cast %add3A_214 : i32 to index
        %swap3A_218 = tpu.vector_load %arg12[%swap3A_217] masked %and3A_210 {strides = array<i32>} : memref<2048xi32, #tpu.memory_space<vmem>>, vector<16xi32>, vector<16xi1>
        tpu.vector_store %arg12[%swap3A_217], %get3A_104 masked %and3A_210 {strides = array<i32>} : memref<2048xi32, #tpu.memory_space<vmem>>, vector<16xi32>, vector<16xi1>
        %swap3A_219 = arith.index_cast %add3A_214 : i32 to index
        %swap3A_220 = tpu.vector_load %arg13[%swap3A_219] masked %and3A_210 {strides = array<i32>} : memref<2048xi32, #tpu.memory_space<vmem>>, vector<16xi32>, vector<16xi1>
        tpu.vector_store %arg13[%swap3A_219], %add3A_131 masked %and3A_210 {strides = array<i32>} : memref<2048xi32, #tpu.memory_space<vmem>>, vector<16xi32>, vector<16xi1>
        %all_reduce_population_count3A_221 = tpu.all_reduce %and3A_210 {dim = 0 : i64, kind = #tpu.reduction_kind<sum>} : vector<16xi1> -> vector<16xi32>
        %reduce_max3A_222 = arith.constant true
        %reduce_max3A_223 = vector.broadcast %reduce_max3A_222 : i1 to vector<16xi1>
        %reduce_max3A_224 = arith.constant -2147483648 : i32
        %reduce_max3A_225 = vector.broadcast %reduce_max3A_224 : i32 to vector<16xi32>
        %reduce_max3A_226 = arith.xori %all_reduce_population_count3A_221, %reduce_max3A_225 : vector<16xi32>
        %reduce_max3A_227 = tpu.scan <max>, %reduce_max3A_226 masked %reduce_max3A_223 : vector<16xi32>, vector<16xi1> -> vector<16xi32>
        %reduce_max3A_228 = arith.xori %reduce_max3A_227, %reduce_max3A_225 : vector<16xi32>
        %reduce_max3A_229 = vector.extract %reduce_max3A_228[15] : i32 from vector<16xi32>
        %add3A_230 = arith.addi %scan3A_61, %reduce_max3A_229 : i32
        %min3A_231 = arith.constant 240 : i32
        %min3A_232 = arith.minsi %add3A_230, %min3A_231 : i32
        %eq3A_233 = arith.constant 4 : i32
        %eq3A_234 = vector.broadcast %eq3A_233 : i32 to vector<16xi32>
        %eq3A_235 = arith.cmpi eq, %shift_right_logical3A_106, %eq3A_234 : vector<16xi32>
        %and3A_236 = arith.andi %eq3A_124, %eq3A_235 : vector<16xi1>
        %min3A_237 = arith.constant 240 : i32
        %min3A_238 = arith.minsi %scan3A_62, %min3A_237 : i32
        %add3A_239 = arith.constant 1024 : i32
        %add3A_240 = arith.addi %min3A_238, %add3A_239 : i32
        %swap3A_241 = arith.index_cast %add3A_240 : i32 to index
        %swap3A_242 = tpu.vector_load %arg11[%swap3A_241] masked %and3A_236 {strides = array<i32>} : memref<2048xi32, #tpu.memory_space<vmem>>, vector<16xi32>, vector<16xi1>
        tpu.vector_store %arg11[%swap3A_241], %sub3A_122 masked %and3A_236 {strides = array<i32>} : memref<2048xi32, #tpu.memory_space<vmem>>, vector<16xi32>, vector<16xi1>
        %swap3A_243 = arith.index_cast %add3A_240 : i32 to index
        %swap3A_244 = tpu.vector_load %arg12[%swap3A_243] masked %and3A_236 {strides = array<i32>} : memref<2048xi32, #tpu.memory_space<vmem>>, vector<16xi32>, vector<16xi1>
        tpu.vector_store %arg12[%swap3A_243], %get3A_104 masked %and3A_236 {strides = array<i32>} : memref<2048xi32, #tpu.memory_space<vmem>>, vector<16xi32>, vector<16xi1>
        %swap3A_245 = arith.index_cast %add3A_240 : i32 to index
        %swap3A_246 = tpu.vector_load %arg13[%swap3A_245] masked %and3A_236 {strides = array<i32>} : memref<2048xi32, #tpu.memory_space<vmem>>, vector<16xi32>, vector<16xi1>
        tpu.vector_store %arg13[%swap3A_245], %add3A_131 masked %and3A_236 {strides = array<i32>} : memref<2048xi32, #tpu.memory_space<vmem>>, vector<16xi32>, vector<16xi1>
        %all_reduce_population_count3A_247 = tpu.all_reduce %and3A_236 {dim = 0 : i64, kind = #tpu.reduction_kind<sum>} : vector<16xi1> -> vector<16xi32>
        %reduce_max3A_248 = arith.constant true
        %reduce_max3A_249 = vector.broadcast %reduce_max3A_248 : i1 to vector<16xi1>
        %reduce_max3A_250 = arith.constant -2147483648 : i32
        %reduce_max3A_251 = vector.broadcast %reduce_max3A_250 : i32 to vector<16xi32>
        %reduce_max3A_252 = arith.xori %all_reduce_population_count3A_247, %reduce_max3A_251 : vector<16xi32>
        %reduce_max3A_253 = tpu.scan <max>, %reduce_max3A_252 masked %reduce_max3A_249 : vector<16xi32>, vector<16xi1> -> vector<16xi32>
        %reduce_max3A_254 = arith.xori %reduce_max3A_253, %reduce_max3A_251 : vector<16xi32>
        %reduce_max3A_255 = vector.extract %reduce_max3A_254[15] : i32 from vector<16xi32>
        %add3A_256 = arith.addi %scan3A_62, %reduce_max3A_255 : i32
        %min3A_257 = arith.constant 240 : i32
        %min3A_258 = arith.minsi %add3A_256, %min3A_257 : i32
        %eq3A_259 = arith.constant 5 : i32
        %eq3A_260 = vector.broadcast %eq3A_259 : i32 to vector<16xi32>
        %eq3A_261 = arith.cmpi eq, %shift_right_logical3A_106, %eq3A_260 : vector<16xi32>
        %and3A_262 = arith.andi %eq3A_124, %eq3A_261 : vector<16xi1>
        %min3A_263 = arith.constant 240 : i32
        %min3A_264 = arith.minsi %scan3A_63, %min3A_263 : i32
        %add3A_265 = arith.constant 1280 : i32
        %add3A_266 = arith.addi %min3A_264, %add3A_265 : i32
        %swap3A_267 = arith.index_cast %add3A_266 : i32 to index
        %swap3A_268 = tpu.vector_load %arg11[%swap3A_267] masked %and3A_262 {strides = array<i32>} : memref<2048xi32, #tpu.memory_space<vmem>>, vector<16xi32>, vector<16xi1>
        tpu.vector_store %arg11[%swap3A_267], %sub3A_122 masked %and3A_262 {strides = array<i32>} : memref<2048xi32, #tpu.memory_space<vmem>>, vector<16xi32>, vector<16xi1>
        %swap3A_269 = arith.index_cast %add3A_266 : i32 to index
        %swap3A_270 = tpu.vector_load %arg12[%swap3A_269] masked %and3A_262 {strides = array<i32>} : memref<2048xi32, #tpu.memory_space<vmem>>, vector<16xi32>, vector<16xi1>
        tpu.vector_store %arg12[%swap3A_269], %get3A_104 masked %and3A_262 {strides = array<i32>} : memref<2048xi32, #tpu.memory_space<vmem>>, vector<16xi32>, vector<16xi1>
        %swap3A_271 = arith.index_cast %add3A_266 : i32 to index
        %swap3A_272 = tpu.vector_load %arg13[%swap3A_271] masked %and3A_262 {strides = array<i32>} : memref<2048xi32, #tpu.memory_space<vmem>>, vector<16xi32>, vector<16xi1>
        tpu.vector_store %arg13[%swap3A_271], %add3A_131 masked %and3A_262 {strides = array<i32>} : memref<2048xi32, #tpu.memory_space<vmem>>, vector<16xi32>, vector<16xi1>
        %all_reduce_population_count3A_273 = tpu.all_reduce %and3A_262 {dim = 0 : i64, kind = #tpu.reduction_kind<sum>} : vector<16xi1> -> vector<16xi32>
        %reduce_max3A_274 = arith.constant true
        %reduce_max3A_275 = vector.broadcast %reduce_max3A_274 : i1 to vector<16xi1>
        %reduce_max3A_276 = arith.constant -2147483648 : i32
        %reduce_max3A_277 = vector.broadcast %reduce_max3A_276 : i32 to vector<16xi32>
        %reduce_max3A_278 = arith.xori %all_reduce_population_count3A_273, %reduce_max3A_277 : vector<16xi32>
        %reduce_max3A_279 = tpu.scan <max>, %reduce_max3A_278 masked %reduce_max3A_275 : vector<16xi32>, vector<16xi1> -> vector<16xi32>
        %reduce_max3A_280 = arith.xori %reduce_max3A_279, %reduce_max3A_277 : vector<16xi32>
        %reduce_max3A_281 = vector.extract %reduce_max3A_280[15] : i32 from vector<16xi32>
        %add3A_282 = arith.addi %scan3A_63, %reduce_max3A_281 : i32
        %min3A_283 = arith.constant 240 : i32
        %min3A_284 = arith.minsi %add3A_282, %min3A_283 : i32
        %eq3A_285 = arith.constant 6 : i32
        %eq3A_286 = vector.broadcast %eq3A_285 : i32 to vector<16xi32>
        %eq3A_287 = arith.cmpi eq, %shift_right_logical3A_106, %eq3A_286 : vector<16xi32>
        %and3A_288 = arith.andi %eq3A_124, %eq3A_287 : vector<16xi1>
        %min3A_289 = arith.constant 240 : i32
        %min3A_290 = arith.minsi %scan3A_64, %min3A_289 : i32
        %add3A_291 = arith.constant 1536 : i32
        %add3A_292 = arith.addi %min3A_290, %add3A_291 : i32
        %swap3A_293 = arith.index_cast %add3A_292 : i32 to index
        %swap3A_294 = tpu.vector_load %arg11[%swap3A_293] masked %and3A_288 {strides = array<i32>} : memref<2048xi32, #tpu.memory_space<vmem>>, vector<16xi32>, vector<16xi1>
        tpu.vector_store %arg11[%swap3A_293], %sub3A_122 masked %and3A_288 {strides = array<i32>} : memref<2048xi32, #tpu.memory_space<vmem>>, vector<16xi32>, vector<16xi1>
        %swap3A_295 = arith.index_cast %add3A_292 : i32 to index
        %swap3A_296 = tpu.vector_load %arg12[%swap3A_295] masked %and3A_288 {strides = array<i32>} : memref<2048xi32, #tpu.memory_space<vmem>>, vector<16xi32>, vector<16xi1>
        tpu.vector_store %arg12[%swap3A_295], %get3A_104 masked %and3A_288 {strides = array<i32>} : memref<2048xi32, #tpu.memory_space<vmem>>, vector<16xi32>, vector<16xi1>
        %swap3A_297 = arith.index_cast %add3A_292 : i32 to index
        %swap3A_298 = tpu.vector_load %arg13[%swap3A_297] masked %and3A_288 {strides = array<i32>} : memref<2048xi32, #tpu.memory_space<vmem>>, vector<16xi32>, vector<16xi1>
        tpu.vector_store %arg13[%swap3A_297], %add3A_131 masked %and3A_288 {strides = array<i32>} : memref<2048xi32, #tpu.memory_space<vmem>>, vector<16xi32>, vector<16xi1>
        %all_reduce_population_count3A_299 = tpu.all_reduce %and3A_288 {dim = 0 : i64, kind = #tpu.reduction_kind<sum>} : vector<16xi1> -> vector<16xi32>
        %reduce_max3A_300 = arith.constant true
        %reduce_max3A_301 = vector.broadcast %reduce_max3A_300 : i1 to vector<16xi1>
        %reduce_max3A_302 = arith.constant -2147483648 : i32
        %reduce_max3A_303 = vector.broadcast %reduce_max3A_302 : i32 to vector<16xi32>
        %reduce_max3A_304 = arith.xori %all_reduce_population_count3A_299, %reduce_max3A_303 : vector<16xi32>
        %reduce_max3A_305 = tpu.scan <max>, %reduce_max3A_304 masked %reduce_max3A_301 : vector<16xi32>, vector<16xi1> -> vector<16xi32>
        %reduce_max3A_306 = arith.xori %reduce_max3A_305, %reduce_max3A_303 : vector<16xi32>
        %reduce_max3A_307 = vector.extract %reduce_max3A_306[15] : i32 from vector<16xi32>
        %add3A_308 = arith.addi %scan3A_64, %reduce_max3A_307 : i32
        %min3A_309 = arith.constant 240 : i32
        %min3A_310 = arith.minsi %add3A_308, %min3A_309 : i32
        %eq3A_311 = arith.constant 7 : i32
        %eq3A_312 = vector.broadcast %eq3A_311 : i32 to vector<16xi32>
        %eq3A_313 = arith.cmpi eq, %shift_right_logical3A_106, %eq3A_312 : vector<16xi32>
        %and3A_314 = arith.andi %eq3A_124, %eq3A_313 : vector<16xi1>
        %min3A_315 = arith.constant 240 : i32
        %min3A_316 = arith.minsi %scan3A_65, %min3A_315 : i32
        %add3A_317 = arith.constant 1792 : i32
        %add3A_318 = arith.addi %min3A_316, %add3A_317 : i32
        %swap3A_319 = arith.index_cast %add3A_318 : i32 to index
        %swap3A_320 = tpu.vector_load %arg11[%swap3A_319] masked %and3A_314 {strides = array<i32>} : memref<2048xi32, #tpu.memory_space<vmem>>, vector<16xi32>, vector<16xi1>
        tpu.vector_store %arg11[%swap3A_319], %sub3A_122 masked %and3A_314 {strides = array<i32>} : memref<2048xi32, #tpu.memory_space<vmem>>, vector<16xi32>, vector<16xi1>
        %swap3A_321 = arith.index_cast %add3A_318 : i32 to index
        %swap3A_322 = tpu.vector_load %arg12[%swap3A_321] masked %and3A_314 {strides = array<i32>} : memref<2048xi32, #tpu.memory_space<vmem>>, vector<16xi32>, vector<16xi1>
        tpu.vector_store %arg12[%swap3A_321], %get3A_104 masked %and3A_314 {strides = array<i32>} : memref<2048xi32, #tpu.memory_space<vmem>>, vector<16xi32>, vector<16xi1>
        %swap3A_323 = arith.index_cast %add3A_318 : i32 to index
        %swap3A_324 = tpu.vector_load %arg13[%swap3A_323] masked %and3A_314 {strides = array<i32>} : memref<2048xi32, #tpu.memory_space<vmem>>, vector<16xi32>, vector<16xi1>
        tpu.vector_store %arg13[%swap3A_323], %add3A_131 masked %and3A_314 {strides = array<i32>} : memref<2048xi32, #tpu.memory_space<vmem>>, vector<16xi32>, vector<16xi1>
        %all_reduce_population_count3A_325 = tpu.all_reduce %and3A_314 {dim = 0 : i64, kind = #tpu.reduction_kind<sum>} : vector<16xi1> -> vector<16xi32>
        %reduce_max3A_326 = arith.constant true
        %reduce_max3A_327 = vector.broadcast %reduce_max3A_326 : i1 to vector<16xi1>
        %reduce_max3A_328 = arith.constant -2147483648 : i32
        %reduce_max3A_329 = vector.broadcast %reduce_max3A_328 : i32 to vector<16xi32>
        %reduce_max3A_330 = arith.xori %all_reduce_population_count3A_325, %reduce_max3A_329 : vector<16xi32>
        %reduce_max3A_331 = tpu.scan <max>, %reduce_max3A_330 masked %reduce_max3A_327 : vector<16xi32>, vector<16xi1> -> vector<16xi32>
        %reduce_max3A_332 = arith.xori %reduce_max3A_331, %reduce_max3A_329 : vector<16xi32>
        %reduce_max3A_333 = vector.extract %reduce_max3A_332[15] : i32 from vector<16xi32>
        %add3A_334 = arith.addi %scan3A_65, %reduce_max3A_333 : i32
        %min3A_335 = arith.constant 240 : i32
        %min3A_336 = arith.minsi %add3A_334, %min3A_335 : i32
        scf.yield %min3A_154, %min3A_180, %min3A_206, %min3A_232, %min3A_258, %min3A_284, %min3A_310, %min3A_336 : i32, i32, i32, i32, i32, i32, i32, i32
      }
      %scan3A_56 = arith.constant 128 : i32
      scf.yield %scan3A_55#0, %scan3A_55#1, %scan3A_55#2, %scan3A_55#3, %scan3A_55#4, %scan3A_55#5, %scan3A_55#6, %scan3A_55#7 : i32, i32, i32, i32, i32, i32, i32, i32
    }
    %scan3A_18 = arith.constant 8 : i32
    %eq3A = arith.constant 0 : i32
    %eq3A_19 = arith.cmpi eq, %arg0, %eq3A : i32
    %jit3A = arith.constant 1.000000e+00 : f32
    %jit3A_20 = arith.constant 0.000000e+00 : f32
    %select_n3A = arith.select %eq3A_19, %jit3A, %jit3A_20 : f32
    %scan3A_21 = arith.constant 0 : i32
    %scan3A_22 = arith.constant 8 : i32
    %scan3A_23 = arith.addi %scan3A_21, %scan3A_22 : i32
    %scan3A_24 = arith.constant 1 : i32
    scf.for %scan3A_38 = %scan3A_21 to %scan3A_23 step %scan3A_24  : i32 {
      %mul3A_39 = arith.constant 131072 : i32
      %mul3A_40 = arith.muli %scan3A_38, %mul3A_39 : i32
      %mul3A_41 = arith.constant 8192 : i32
      %mul3A_42 = arith.muli %arg1, %mul3A_41 : i32
      %add3A = arith.addi %mul3A_40, %mul3A_42 : i32
      %min3A = arith.constant 991744 : i32
      %min3A_43 = arith.minsi %add3A, %min3A : i32
      %scan3A_44 = arith.constant 0 : i32
      %scan3A_45 = arith.constant 16 : i32
      %scan3A_46 = arith.addi %scan3A_44, %scan3A_45 : i32
      %scan3A_47 = arith.constant 1 : i32
      scf.for %scan3A_125 = %scan3A_44 to %scan3A_46 step %scan3A_47  : i32 {
        %jit3A_126 = arith.constant 8 : i32
        %eq3A_127 = arith.constant 0 : i32
        %eq3A_128 = arith.cmpi eq, %jit3A_126, %eq3A_127 : i32
        %jit3A_129 = arith.constant 1 : i32
        %select_n3A_130 = arith.select %eq3A_128, %jit3A_129, %jit3A_126 : i32
        %rem3A = arith.remsi %scan3A_125, %select_n3A_130 : i32
        %ne3A = arith.constant 0 : i32
        %ne3A_131 = arith.cmpi ne, %rem3A, %ne3A : i32
        %lt3A = arith.constant 0 : i32
        %lt3A_132 = arith.cmpi slt, %rem3A, %lt3A : i32
        %lt3A_133 = arith.constant 0 : i32
        %lt3A_134 = arith.cmpi slt, %select_n3A_130, %lt3A_133 : i32
        %ne3A_135 = arith.xori %lt3A_132, %lt3A_134 : i1
        %and3A = arith.andi %ne3A_135, %ne3A_131 : i1
        %add3A_136 = arith.addi %rem3A, %select_n3A_130 : i32
        %select_n3A_137 = arith.select %and3A, %add3A_136, %rem3A : i32
        %mul3A_138 = arith.constant 16 : i32
        %mul3A_139 = arith.muli %select_n3A_137, %mul3A_138 : i32
        %mul3A_140 = arith.constant 256 : i32
        %mul3A_141 = arith.muli %scan3A_38, %mul3A_140 : i32
        %mul3A_142 = arith.constant 16 : i32
        %mul3A_143 = arith.muli %scan3A_125, %mul3A_142 : i32
        %add3A_144 = arith.addi %mul3A_141, %mul3A_143 : i32
        %get3A = arith.index_cast %add3A_144 : i32 to index
        %get3A_145 = tpu.vector_load %arg11[%get3A] {strides = array<i32>} : memref<2048xi32, #tpu.memory_space<vmem>>, vector<16xi32>,
        %add3A_146 = vector.broadcast %min3A_43 : i32 to vector<16xi32>
        %add3A_147 = arith.addi %get3A_145, %add3A_146 : vector<16xi32>
        %jit3A_148 = arith.constant 8 : i32
        %div3A = arith.divsi %scan3A_125, %jit3A_148 : i32
        %sign3A = arith.constant 0 : i32
        %sign3A_149 = arith.cmpi sgt, %scan3A_125, %sign3A : i32
        %sign3A_150 = arith.extui %sign3A_149 : i1 to i32
        %sign3A_151 = arith.constant 0 : i32
        %sign3A_152 = arith.cmpi slt, %scan3A_125, %sign3A_151 : i32
        %sign3A_153 = arith.extui %sign3A_152 : i1 to i32
        %sign3A_154 = arith.subi %sign3A_150, %sign3A_153 : i32
        %sign3A_155 = arith.constant 0 : i32
        %sign3A_156 = arith.cmpi sgt, %jit3A_148, %sign3A_155 : i32
        %sign3A_157 = arith.extui %sign3A_156 : i1 to i32
        %sign3A_158 = arith.constant 0 : i32
        %sign3A_159 = arith.cmpi slt, %jit3A_148, %sign3A_158 : i32
        %sign3A_160 = arith.extui %sign3A_159 : i1 to i32
        %sign3A_161 = arith.subi %sign3A_157, %sign3A_160 : i32
        %ne3A_162 = arith.cmpi ne, %sign3A_154, %sign3A_161 : i32
        %rem3A_163 = arith.remsi %scan3A_125, %jit3A_148 : i32
        %ne3A_164 = arith.constant 0 : i32
        %ne3A_165 = arith.cmpi ne, %rem3A_163, %ne3A_164 : i32
        %and3A_166 = arith.andi %ne3A_162, %ne3A_165 : i1
        %sub3A = arith.constant 1 : i32
        %sub3A_167 = arith.subi %div3A, %sub3A : i32
        %select_n3A_168 = arith.select %and3A_166, %sub3A_167, %div3A : i32
        %swap3A = arith.index_cast %select_n3A_168 : i32 to index
        %swap3A_169 = arith.index_cast %mul3A_139 : i32 to index
        %swap3A_170 = tpu.vector_load %arg17[%swap3A, %swap3A_169] {strides = array<i32>} : memref<2x128xi32, #tpu.memory_space<vmem>>, vector<16xi32>,
        tpu.vector_store %arg17[%swap3A, %swap3A_169], %add3A_147 {strides = array<i32>} : memref<2x128xi32, #tpu.memory_space<vmem>>, vector<16xi32>,
      }
      %scan3A_48 = arith.constant 16 : i32
      %mul3A_49 = arith.constant 256 : i32
      %mul3A_50 = arith.muli %scan3A_38, %mul3A_49 : i32
      %add3A_51 = arith.constant 0 : i32
      %add3A_52 = arith.addi %mul3A_50, %add3A_51 : i32
      %dma_start3A = arith.constant 0 : i32
      %dma_start3A_53 = tpu.memref_slice %arg14[%add3A_52] : memref<2048xf32, #tpu.memory_space<vmem>> -> memref<128xf32, #tpu.memory_space<vmem>>
      %dma_start3A_54 = arith.constant 0 : i32
      %dma_start3A_55 = tpu.memref_slice %arg17[%dma_start3A, %dma_start3A_54] : memref<2x128xi32, #tpu.memory_space<vmem>> -> memref<1x128xi32, #tpu.memory_space<vmem>>
      %dma_start3A_56 = tpu.memref_squeeze %dma_start3A_55 : memref<1x128xi32, #tpu.memory_space<vmem>> -> memref<128xi32, #tpu.memory_space<vmem>>
      %dma_start3A_57 = arith.constant 0 : i32
      %dma_start3A_58 = tpu.memref_slice %arg6[%dma_start3A_57] : memref<1000000xf32, #tpu.memory_space<hbm>> -> memref<1000000xf32, #tpu.memory_space<hbm>>
      tpu.enqueue_indirect_dma source(%dma_start3A_58 : memref<1000000xf32, #tpu.memory_space<hbm>>) target(%dma_start3A_53 : memref<128xf32, #tpu.memory_space<vmem>>) offsets(%dma_start3A_56 : memref<128xi32, #tpu.memory_space<vmem>>) semaphore(%arg20 : memref<!tpu.dma_semaphore, #tpu.memory_space<semaphore_mem>>)
      %mul3A_59 = arith.constant 256 : i32
      %mul3A_60 = arith.muli %scan3A_38, %mul3A_59 : i32
      %add3A_61 = arith.constant 128 : i32
      %add3A_62 = arith.addi %mul3A_60, %add3A_61 : i32
      %dma_start3A_63 = arith.constant 1 : i32
      %dma_start3A_64 = tpu.memref_slice %arg14[%add3A_62] : memref<2048xf32, #tpu.memory_space<vmem>> -> memref<128xf32, #tpu.memory_space<vmem>>
      %dma_start3A_65 = arith.constant 0 : i32
      %dma_start3A_66 = tpu.memref_slice %arg17[%dma_start3A_63, %dma_start3A_65] : memref<2x128xi32, #tpu.memory_space<vmem>> -> memref<1x128xi32, #tpu.memory_space<vmem>>
      %dma_start3A_67 = tpu.memref_squeeze %dma_start3A_66 : memref<1x128xi32, #tpu.memory_space<vmem>> -> memref<128xi32, #tpu.memory_space<vmem>>
      %dma_start3A_68 = arith.constant 0 : i32
      %dma_start3A_69 = tpu.memref_slice %arg6[%dma_start3A_68] : memref<1000000xf32, #tpu.memory_space<hbm>> -> memref<1000000xf32, #tpu.memory_space<hbm>>
      tpu.enqueue_indirect_dma source(%dma_start3A_69 : memref<1000000xf32, #tpu.memory_space<hbm>>) target(%dma_start3A_64 : memref<128xf32, #tpu.memory_space<vmem>>) offsets(%dma_start3A_67 : memref<128xi32, #tpu.memory_space<vmem>>) semaphore(%arg20 : memref<!tpu.dma_semaphore, #tpu.memory_space<semaphore_mem>>)
      %dma_wait3A = arith.constant 0 : i32
      %dma_wait3A_70 = tpu.memref_slice %arg14[%add3A_52] : memref<2048xf32, #tpu.memory_space<vmem>> -> memref<128xf32, #tpu.memory_space<vmem>>
      %dma_wait3A_71 = arith.constant 0 : i32
      %dma_wait3A_72 = tpu.memref_slice %arg17[%dma_wait3A, %dma_wait3A_71] : memref<2x128xi32, #tpu.memory_space<vmem>> -> memref<1x128xi32, #tpu.memory_space<vmem>>
      %dma_wait3A_73 = tpu.memref_squeeze %dma_wait3A_72 : memref<1x128xi32, #tpu.memory_space<vmem>> -> memref<128xi32, #tpu.memory_space<vmem>>
      %dma_wait3A_74 = arith.constant 0 : i32
      %dma_wait3A_75 = tpu.memref_slice %arg6[%dma_wait3A_74] : memref<1000000xf32, #tpu.memory_space<hbm>> -> memref<1000000xf32, #tpu.memory_space<hbm>>
      tpu.wait_indirect_dma semaphore(%arg20 : memref<!tpu.dma_semaphore, #tpu.memory_space<semaphore_mem>>) src(%dma_wait3A_75 : memref<1000000xf32, #tpu.memory_space<hbm>>) dst(%dma_wait3A_70 : memref<128xf32, #tpu.memory_space<vmem>>)
      %dma_wait3A_76 = arith.constant 1 : i32
      %dma_wait3A_77 = tpu.memref_slice %arg14[%add3A_62] : memref<2048xf32, #tpu.memory_space<vmem>> -> memref<128xf32, #tpu.memory_space<vmem>>
      %dma_wait3A_78 = arith.constant 0 : i32
      %dma_wait3A_79 = tpu.memref_slice %arg17[%dma_wait3A_76, %dma_wait3A_78] : memref<2x128xi32, #tpu.memory_space<vmem>> -> memref<1x128xi32, #tpu.memory_space<vmem>>
      %dma_wait3A_80 = tpu.memref_squeeze %dma_wait3A_79 : memref<1x128xi32, #tpu.memory_space<vmem>> -> memref<128xi32, #tpu.memory_space<vmem>>
      %dma_wait3A_81 = arith.constant 0 : i32
      %dma_wait3A_82 = tpu.memref_slice %arg6[%dma_wait3A_81] : memref<1000000xf32, #tpu.memory_space<hbm>> -> memref<1000000xf32, #tpu.memory_space<hbm>>
      tpu.wait_indirect_dma semaphore(%arg20 : memref<!tpu.dma_semaphore, #tpu.memory_space<semaphore_mem>>) src(%dma_wait3A_82 : memref<1000000xf32, #tpu.memory_space<hbm>>) dst(%dma_wait3A_77 : memref<128xf32, #tpu.memory_space<vmem>>)
      %scan3A_83 = arith.constant 0 : i32
      %scan3A_84 = arith.constant 16 : i32
      %scan3A_85 = arith.addi %scan3A_83, %scan3A_84 : i32
      %scan3A_86 = arith.constant 1 : i32
      scf.for %scan3A_125 = %scan3A_83 to %scan3A_85 step %scan3A_86  : i32 {
        %jit3A_126 = arith.constant 8 : i32
        %eq3A_127 = arith.constant 0 : i32
        %eq3A_128 = arith.cmpi eq, %jit3A_126, %eq3A_127 : i32
        %jit3A_129 = arith.constant 1 : i32
        %select_n3A_130 = arith.select %eq3A_128, %jit3A_129, %jit3A_126 : i32
        %rem3A = arith.remsi %scan3A_125, %select_n3A_130 : i32
        %ne3A = arith.constant 0 : i32
        %ne3A_131 = arith.cmpi ne, %rem3A, %ne3A : i32
        %lt3A = arith.constant 0 : i32
        %lt3A_132 = arith.cmpi slt, %rem3A, %lt3A : i32
        %lt3A_133 = arith.constant 0 : i32
        %lt3A_134 = arith.cmpi slt, %select_n3A_130, %lt3A_133 : i32
        %ne3A_135 = arith.xori %lt3A_132, %lt3A_134 : i1
        %and3A = arith.andi %ne3A_135, %ne3A_131 : i1
        %add3A_136 = arith.addi %rem3A, %select_n3A_130 : i32
        %select_n3A_137 = arith.select %and3A, %add3A_136, %rem3A : i32
        %mul3A_138 = arith.constant 16 : i32
        %mul3A_139 = arith.muli %select_n3A_137, %mul3A_138 : i32
        %mul3A_140 = arith.constant 256 : i32
        %mul3A_141 = arith.muli %scan3A_38, %mul3A_140 : i32
        %mul3A_142 = arith.constant 16 : i32
        %mul3A_143 = arith.muli %scan3A_125, %mul3A_142 : i32
        %add3A_144 = arith.addi %mul3A_141, %mul3A_143 : i32
        %get3A = arith.index_cast %add3A_144 : i32 to index
        %get3A_145 = tpu.vector_load %arg12[%get3A] {strides = array<i32>} : memref<2048xi32, #tpu.memory_space<vmem>>, vector<16xi32>,
        %add3A_146 = arith.constant 6400000 : i32
        %add3A_147 = vector.broadcast %add3A_146 : i32 to vector<16xi32>
        %add3A_148 = arith.addi %get3A_145, %add3A_147 : vector<16xi32>
        %jit3A_149 = arith.constant 8 : i32
        %div3A = arith.divsi %scan3A_125, %jit3A_149 : i32
        %sign3A = arith.constant 0 : i32
        %sign3A_150 = arith.cmpi sgt, %scan3A_125, %sign3A : i32
        %sign3A_151 = arith.extui %sign3A_150 : i1 to i32
        %sign3A_152 = arith.constant 0 : i32
        %sign3A_153 = arith.cmpi slt, %scan3A_125, %sign3A_152 : i32
        %sign3A_154 = arith.extui %sign3A_153 : i1 to i32
        %sign3A_155 = arith.subi %sign3A_151, %sign3A_154 : i32
        %sign3A_156 = arith.constant 0 : i32
        %sign3A_157 = arith.cmpi sgt, %jit3A_149, %sign3A_156 : i32
        %sign3A_158 = arith.extui %sign3A_157 : i1 to i32
        %sign3A_159 = arith.constant 0 : i32
        %sign3A_160 = arith.cmpi slt, %jit3A_149, %sign3A_159 : i32
        %sign3A_161 = arith.extui %sign3A_160 : i1 to i32
        %sign3A_162 = arith.subi %sign3A_158, %sign3A_161 : i32
        %ne3A_163 = arith.cmpi ne, %sign3A_155, %sign3A_162 : i32
        %rem3A_164 = arith.remsi %scan3A_125, %jit3A_149 : i32
        %ne3A_165 = arith.constant 0 : i32
        %ne3A_166 = arith.cmpi ne, %rem3A_164, %ne3A_165 : i32
        %and3A_167 = arith.andi %ne3A_163, %ne3A_166 : i1
        %sub3A = arith.constant 1 : i32
        %sub3A_168 = arith.subi %div3A, %sub3A : i32
        %select_n3A_169 = arith.select %and3A_167, %sub3A_168, %div3A : i32
        %swap3A = arith.index_cast %select_n3A_169 : i32 to index
        %swap3A_170 = arith.index_cast %mul3A_139 : i32 to index
        %swap3A_171 = tpu.vector_load %arg17[%swap3A, %swap3A_170] {strides = array<i32>} : memref<2x128xi32, #tpu.memory_space<vmem>>, vector<16xi32>,
        tpu.vector_store %arg17[%swap3A, %swap3A_170], %add3A_148 {strides = array<i32>} : memref<2x128xi32, #tpu.memory_space<vmem>>, vector<16xi32>,
      }
      %scan3A_87 = arith.constant 16 : i32
      %dma_start3A_88 = arith.constant 0 : i32
      %dma_start3A_89 = arith.constant 0 : i32
      %dma_start3A_90 = tpu.memref_slice %arg15[%dma_start3A_89] : memref<2048xf32, #tpu.memory_space<vmem>> -> memref<128xf32, #tpu.memory_space<vmem>>
      %dma_start3A_91 = arith.constant 0 : i32
      %dma_start3A_92 = tpu.memref_slice %arg17[%dma_start3A_88, %dma_start3A_91] : memref<2x128xi32, #tpu.memory_space<vmem>> -> memref<1x128xi32, #tpu.memory_space<vmem>>
      %dma_start3A_93 = tpu.memref_squeeze %dma_start3A_92 : memref<1x128xi32, #tpu.memory_space<vmem>> -> memref<128xi32, #tpu.memory_space<vmem>>
      %dma_start3A_94 = arith.constant 0 : i32
      %dma_start3A_95 = tpu.memref_slice %arg5[%dma_start3A_94] : memref<6500000xf32, #tpu.memory_space<hbm>> -> memref<6500000xf32, #tpu.memory_space<hbm>>
      tpu.enqueue_indirect_dma source(%dma_start3A_95 : memref<6500000xf32, #tpu.memory_space<hbm>>) target(%dma_start3A_90 : memref<128xf32, #tpu.memory_space<vmem>>) offsets(%dma_start3A_93 : memref<128xi32, #tpu.memory_space<vmem>>) semaphore(%arg20 : memref<!tpu.dma_semaphore, #tpu.memory_space<semaphore_mem>>)
      %dma_start3A_96 = arith.constant 1 : i32
      %dma_start3A_97 = arith.constant 128 : i32
      %dma_start3A_98 = tpu.memref_slice %arg15[%dma_start3A_97] : memref<2048xf32, #tpu.memory_space<vmem>> -> memref<128xf32, #tpu.memory_space<vmem>>
      %dma_start3A_99 = arith.constant 0 : i32
      %dma_start3A_100 = tpu.memref_slice %arg17[%dma_start3A_96, %dma_start3A_99] : memref<2x128xi32, #tpu.memory_space<vmem>> -> memref<1x128xi32, #tpu.memory_space<vmem>>
      %dma_start3A_101 = tpu.memref_squeeze %dma_start3A_100 : memref<1x128xi32, #tpu.memory_space<vmem>> -> memref<128xi32, #tpu.memory_space<vmem>>
      %dma_start3A_102 = arith.constant 0 : i32
      %dma_start3A_103 = tpu.memref_slice %arg5[%dma_start3A_102] : memref<6500000xf32, #tpu.memory_space<hbm>> -> memref<6500000xf32, #tpu.memory_space<hbm>>
      tpu.enqueue_indirect_dma source(%dma_start3A_103 : memref<6500000xf32, #tpu.memory_space<hbm>>) target(%dma_start3A_98 : memref<128xf32, #tpu.memory_space<vmem>>) offsets(%dma_start3A_101 : memref<128xi32, #tpu.memory_space<vmem>>) semaphore(%arg20 : memref<!tpu.dma_semaphore, #tpu.memory_space<semaphore_mem>>)
      %dma_wait3A_104 = arith.constant 0 : i32
      %dma_wait3A_105 = arith.constant 0 : i32
      %dma_wait3A_106 = tpu.memref_slice %arg15[%dma_wait3A_105] : memref<2048xf32, #tpu.memory_space<vmem>> -> memref<128xf32, #tpu.memory_space<vmem>>
      %dma_wait3A_107 = arith.constant 0 : i32
      %dma_wait3A_108 = tpu.memref_slice %arg17[%dma_wait3A_104, %dma_wait3A_107] : memref<2x128xi32, #tpu.memory_space<vmem>> -> memref<1x128xi32, #tpu.memory_space<vmem>>
      %dma_wait3A_109 = tpu.memref_squeeze %dma_wait3A_108 : memref<1x128xi32, #tpu.memory_space<vmem>> -> memref<128xi32, #tpu.memory_space<vmem>>
      %dma_wait3A_110 = arith.constant 0 : i32
      %dma_wait3A_111 = tpu.memref_slice %arg5[%dma_wait3A_110] : memref<6500000xf32, #tpu.memory_space<hbm>> -> memref<6500000xf32, #tpu.memory_space<hbm>>
      tpu.wait_indirect_dma semaphore(%arg20 : memref<!tpu.dma_semaphore, #tpu.memory_space<semaphore_mem>>) src(%dma_wait3A_111 : memref<6500000xf32, #tpu.memory_space<hbm>>) dst(%dma_wait3A_106 : memref<128xf32, #tpu.memory_space<vmem>>)
      %dma_wait3A_112 = arith.constant 1 : i32
      %dma_wait3A_113 = arith.constant 128 : i32
      %dma_wait3A_114 = tpu.memref_slice %arg15[%dma_wait3A_113] : memref<2048xf32, #tpu.memory_space<vmem>> -> memref<128xf32, #tpu.memory_space<vmem>>
      %dma_wait3A_115 = arith.constant 0 : i32
      %dma_wait3A_116 = tpu.memref_slice %arg17[%dma_wait3A_112, %dma_wait3A_115] : memref<2x128xi32, #tpu.memory_space<vmem>> -> memref<1x128xi32, #tpu.memory_space<vmem>>
      %dma_wait3A_117 = tpu.memref_squeeze %dma_wait3A_116 : memref<1x128xi32, #tpu.memory_space<vmem>> -> memref<128xi32, #tpu.memory_space<vmem>>
      %dma_wait3A_118 = arith.constant 0 : i32
      %dma_wait3A_119 = tpu.memref_slice %arg5[%dma_wait3A_118] : memref<6500000xf32, #tpu.memory_space<hbm>> -> memref<6500000xf32, #tpu.memory_space<hbm>>
      tpu.wait_indirect_dma semaphore(%arg20 : memref<!tpu.dma_semaphore, #tpu.memory_space<semaphore_mem>>) src(%dma_wait3A_119 : memref<6500000xf32, #tpu.memory_space<hbm>>) dst(%dma_wait3A_114 : memref<128xf32, #tpu.memory_space<vmem>>)
      %scan3A_120 = arith.constant 0 : i32
      %scan3A_121 = arith.constant 16 : i32
      %scan3A_122 = arith.addi %scan3A_120, %scan3A_121 : i32
      %scan3A_123 = arith.constant 1 : i32
      scf.for %scan3A_125 = %scan3A_120 to %scan3A_122 step %scan3A_123  : i32 {
        %mul3A_126 = arith.constant 256 : i32
        %mul3A_127 = arith.muli %scan3A_38, %mul3A_126 : i32
        %mul3A_128 = arith.constant 16 : i32
        %mul3A_129 = arith.muli %scan3A_125, %mul3A_128 : i32
        %add3A_130 = arith.addi %mul3A_127, %mul3A_129 : i32
        %get3A = arith.index_cast %add3A_130 : i32 to index
        %get3A_131 = tpu.vector_load %arg14[%get3A] {strides = array<i32>} : memref<2048xf32, #tpu.memory_space<vmem>>, vector<16xf32>,
        %mul3A_132 = arith.constant 16 : i32
        %mul3A_133 = arith.muli %scan3A_125, %mul3A_132 : i32
        %get3A_134 = arith.index_cast %mul3A_133 : i32 to index
        %get3A_135 = tpu.vector_load %arg15[%get3A_134] {strides = array<i32>} : memref<2048xf32, #tpu.memory_space<vmem>>, vector<16xf32>,
        %add3A_136 = arith.addf %get3A_131, %get3A_135 : vector<16xf32>
        %mul3A_137 = vector.broadcast %select_n3A : f32 to vector<16xf32>
        %mul3A_138 = arith.mulf %add3A_136, %mul3A_137 : vector<16xf32>
        %swap3A = arith.index_cast %add3A_130 : i32 to index
        %swap3A_139 = tpu.vector_load %arg14[%swap3A] {strides = array<i32>} : memref<2048xf32, #tpu.memory_space<vmem>>, vector<16xf32>,
        tpu.vector_store %arg14[%swap3A], %mul3A_138 {strides = array<i32>} : memref<2048xf32, #tpu.memory_space<vmem>>, vector<16xf32>,
      }
      %scan3A_124 = arith.constant 16 : i32
    }
    %scan3A_25 = arith.constant 8 : i32
    %scan3A_26 = arith.constant 0 : i32
    %scan3A_27 = arith.constant 32 : i32
    %scan3A_28 = arith.addi %scan3A_26, %scan3A_27 : i32
    %scan3A_29 = arith.constant 1 : i32
    scf.for %scan3A_38 = %scan3A_26 to %scan3A_28 step %scan3A_29  : i32 {
      %jit3A_39 = arith.constant 8 : i32
      %div3A = arith.divsi %scan3A_38, %jit3A_39 : i32
      %sign3A = arith.constant 0 : i32
      %sign3A_40 = arith.cmpi sgt, %scan3A_38, %sign3A : i32
      %sign3A_41 = arith.extui %sign3A_40 : i1 to i32
      %sign3A_42 = arith.constant 0 : i32
      %sign3A_43 = arith.cmpi slt, %scan3A_38, %sign3A_42 : i32
      %sign3A_44 = arith.extui %sign3A_43 : i1 to i32
      %sign3A_45 = arith.subi %sign3A_41, %sign3A_44 : i32
      %sign3A_46 = arith.constant 0 : i32
      %sign3A_47 = arith.cmpi sgt, %jit3A_39, %sign3A_46 : i32
      %sign3A_48 = arith.extui %sign3A_47 : i1 to i32
      %sign3A_49 = arith.constant 0 : i32
      %sign3A_50 = arith.cmpi slt, %jit3A_39, %sign3A_49 : i32
      %sign3A_51 = arith.extui %sign3A_50 : i1 to i32
      %sign3A_52 = arith.subi %sign3A_48, %sign3A_51 : i32
      %ne3A = arith.cmpi ne, %sign3A_45, %sign3A_52 : i32
      %rem3A = arith.remsi %scan3A_38, %jit3A_39 : i32
      %ne3A_53 = arith.constant 0 : i32
      %ne3A_54 = arith.cmpi ne, %rem3A, %ne3A_53 : i32
      %and3A = arith.andi %ne3A, %ne3A_54 : i1
      %sub3A = arith.constant 1 : i32
      %sub3A_55 = arith.subi %div3A, %sub3A : i32
      %select_n3A_56 = arith.select %and3A, %sub3A_55, %div3A : i32
      %jit3A_57 = arith.constant 8 : i32
      %eq3A_58 = arith.constant 0 : i32
      %eq3A_59 = arith.cmpi eq, %jit3A_57, %eq3A_58 : i32
      %jit3A_60 = arith.constant 1 : i32
      %select_n3A_61 = arith.select %eq3A_59, %jit3A_60, %jit3A_57 : i32
      %rem3A_62 = arith.remsi %scan3A_38, %select_n3A_61 : i32
      %ne3A_63 = arith.constant 0 : i32
      %ne3A_64 = arith.cmpi ne, %rem3A_62, %ne3A_63 : i32
      %lt3A = arith.constant 0 : i32
      %lt3A_65 = arith.cmpi slt, %rem3A_62, %lt3A : i32
      %lt3A_66 = arith.constant 0 : i32
      %lt3A_67 = arith.cmpi slt, %select_n3A_61, %lt3A_66 : i32
      %ne3A_68 = arith.xori %lt3A_65, %lt3A_67 : i1
      %and3A_69 = arith.andi %ne3A_68, %ne3A_64 : i1
      %add3A = arith.addi %rem3A_62, %select_n3A_61 : i32
      %select_n3A_70 = arith.select %and3A_69, %add3A, %rem3A_62 : i32
      %mul3A_71 = arith.constant 8 : i32
      %mul3A_72 = arith.muli %select_n3A_56, %mul3A_71 : i32
      %add3A_73 = arith.addi %mul3A_0, %mul3A_72 : i32
      %mul3A_74 = arith.constant 131072 : i32
      %mul3A_75 = arith.muli %select_n3A_70, %mul3A_74 : i32
      %mul3A_76 = arith.constant 8192 : i32
      %mul3A_77 = arith.muli %arg1, %mul3A_76 : i32
      %add3A_78 = arith.addi %mul3A_75, %mul3A_77 : i32
      %min3A = arith.constant 991744 : i32
      %min3A_79 = arith.minsi %add3A_78, %min3A : i32
      %scan3A_80 = arith.constant 0 : i32
      %scan3A_81 = arith.constant 128 : i32
      %scan3A_82 = arith.addi %scan3A_80, %scan3A_81 : i32
      %scan3A_83 = arith.constant 1 : i32
      scf.for %scan3A_344 = %scan3A_80 to %scan3A_82 step %scan3A_83  : i32 {
        %jit3A_345 = arith.constant 16 : i32
        %div3A_346 = arith.divsi %scan3A_344, %jit3A_345 : i32
        %sign3A_347 = arith.constant 0 : i32
        %sign3A_348 = arith.cmpi sgt, %scan3A_344, %sign3A_347 : i32
        %sign3A_349 = arith.extui %sign3A_348 : i1 to i32
        %sign3A_350 = arith.constant 0 : i32
        %sign3A_351 = arith.cmpi slt, %scan3A_344, %sign3A_350 : i32
        %sign3A_352 = arith.extui %sign3A_351 : i1 to i32
        %sign3A_353 = arith.subi %sign3A_349, %sign3A_352 : i32
        %sign3A_354 = arith.constant 0 : i32
        %sign3A_355 = arith.cmpi sgt, %jit3A_345, %sign3A_354 : i32
        %sign3A_356 = arith.extui %sign3A_355 : i1 to i32
        %sign3A_357 = arith.constant 0 : i32
        %sign3A_358 = arith.cmpi slt, %jit3A_345, %sign3A_357 : i32
        %sign3A_359 = arith.extui %sign3A_358 : i1 to i32
        %sign3A_360 = arith.subi %sign3A_356, %sign3A_359 : i32
        %ne3A_361 = arith.cmpi ne, %sign3A_353, %sign3A_360 : i32
        %rem3A_362 = arith.remsi %scan3A_344, %jit3A_345 : i32
        %ne3A_363 = arith.constant 0 : i32
        %ne3A_364 = arith.cmpi ne, %rem3A_362, %ne3A_363 : i32
        %and3A_365 = arith.andi %ne3A_361, %ne3A_364 : i1
        %sub3A_366 = arith.constant 1 : i32
        %sub3A_367 = arith.subi %div3A_346, %sub3A_366 : i32
        %select_n3A_368 = arith.select %and3A_365, %sub3A_367, %div3A_346 : i32
        %jit3A_369 = arith.constant 8 : i32
        %div3A_370 = arith.divsi %scan3A_344, %jit3A_369 : i32
        %sign3A_371 = arith.constant 0 : i32
        %sign3A_372 = arith.cmpi sgt, %scan3A_344, %sign3A_371 : i32
        %sign3A_373 = arith.extui %sign3A_372 : i1 to i32
        %sign3A_374 = arith.constant 0 : i32
        %sign3A_375 = arith.cmpi slt, %scan3A_344, %sign3A_374 : i32
        %sign3A_376 = arith.extui %sign3A_375 : i1 to i32
        %sign3A_377 = arith.subi %sign3A_373, %sign3A_376 : i32
        %sign3A_378 = arith.constant 0 : i32
        %sign3A_379 = arith.cmpi sgt, %jit3A_369, %sign3A_378 : i32
        %sign3A_380 = arith.extui %sign3A_379 : i1 to i32
        %sign3A_381 = arith.constant 0 : i32
        %sign3A_382 = arith.cmpi slt, %jit3A_369, %sign3A_381 : i32
        %sign3A_383 = arith.extui %sign3A_382 : i1 to i32
        %sign3A_384 = arith.subi %sign3A_380, %sign3A_383 : i32
        %ne3A_385 = arith.cmpi ne, %sign3A_377, %sign3A_384 : i32
        %rem3A_386 = arith.remsi %scan3A_344, %jit3A_369 : i32
        %ne3A_387 = arith.constant 0 : i32
        %ne3A_388 = arith.cmpi ne, %rem3A_386, %ne3A_387 : i32
        %and3A_389 = arith.andi %ne3A_385, %ne3A_388 : i1
        %sub3A_390 = arith.constant 1 : i32
        %sub3A_391 = arith.subi %div3A_370, %sub3A_390 : i32
        %select_n3A_392 = arith.select %and3A_389, %sub3A_391, %div3A_370 : i32
        %jit3A_393 = arith.constant 2 : i32
        %eq3A_394 = arith.constant 0 : i32
        %eq3A_395 = arith.cmpi eq, %jit3A_393, %eq3A_394 : i32
        %jit3A_396 = arith.constant 1 : i32
        %select_n3A_397 = arith.select %eq3A_395, %jit3A_396, %jit3A_393 : i32
        %rem3A_398 = arith.remsi %select_n3A_392, %select_n3A_397 : i32
        %ne3A_399 = arith.constant 0 : i32
        %ne3A_400 = arith.cmpi ne, %rem3A_398, %ne3A_399 : i32
        %lt3A_401 = arith.constant 0 : i32
        %lt3A_402 = arith.cmpi slt, %rem3A_398, %lt3A_401 : i32
        %lt3A_403 = arith.constant 0 : i32
        %lt3A_404 = arith.cmpi slt, %select_n3A_397, %lt3A_403 : i32
        %ne3A_405 = arith.xori %lt3A_402, %lt3A_404 : i1
        %and3A_406 = arith.andi %ne3A_405, %ne3A_400 : i1
        %add3A_407 = arith.addi %rem3A_398, %select_n3A_397 : i32
        %select_n3A_408 = arith.select %and3A_406, %add3A_407, %rem3A_398 : i32
        %jit3A_409 = arith.constant 8 : i32
        %eq3A_410 = arith.constant 0 : i32
        %eq3A_411 = arith.cmpi eq, %jit3A_409, %eq3A_410 : i32
        %jit3A_412 = arith.constant 1 : i32
        %select_n3A_413 = arith.select %eq3A_411, %jit3A_412, %jit3A_409 : i32
        %rem3A_414 = arith.remsi %scan3A_344, %select_n3A_413 : i32
        %ne3A_415 = arith.constant 0 : i32
        %ne3A_416 = arith.cmpi ne, %rem3A_414, %ne3A_415 : i32
        %lt3A_417 = arith.constant 0 : i32
        %lt3A_418 = arith.cmpi slt, %rem3A_414, %lt3A_417 : i32
        %lt3A_419 = arith.constant 0 : i32
        %lt3A_420 = arith.cmpi slt, %select_n3A_413, %lt3A_419 : i32
        %ne3A_421 = arith.xori %lt3A_418, %lt3A_420 : i1
        %and3A_422 = arith.andi %ne3A_421, %ne3A_416 : i1
        %add3A_423 = arith.addi %rem3A_414, %select_n3A_413 : i32
        %select_n3A_424 = arith.select %and3A_422, %add3A_423, %rem3A_414 : i32
        %mul3A_425 = arith.constant 16 : i32
        %mul3A_426 = arith.muli %select_n3A_424, %mul3A_425 : i32
        %mul3A_427 = arith.constant 256 : i32
        %mul3A_428 = arith.muli %select_n3A_70, %mul3A_427 : i32
        %mul3A_429 = arith.constant 128 : i32
        %mul3A_430 = arith.muli %select_n3A_408, %mul3A_429 : i32
        %add3A_431 = arith.addi %mul3A_428, %mul3A_430 : i32
        %jit3A_432 = arith.constant 8 : i32
        %eq3A_433 = arith.constant 0 : i32
        %eq3A_434 = arith.cmpi eq, %jit3A_432, %eq3A_433 : i32
        %jit3A_435 = arith.constant 1 : i32
        %select_n3A_436 = arith.select %eq3A_434, %jit3A_435, %jit3A_432 : i32
        %rem3A_437 = arith.remsi %scan3A_344, %select_n3A_436 : i32
        %ne3A_438 = arith.constant 0 : i32
        %ne3A_439 = arith.cmpi ne, %rem3A_437, %ne3A_438 : i32
        %lt3A_440 = arith.constant 0 : i32
        %lt3A_441 = arith.cmpi slt, %rem3A_437, %lt3A_440 : i32
        %lt3A_442 = arith.constant 0 : i32
        %lt3A_443 = arith.cmpi slt, %select_n3A_436, %lt3A_442 : i32
        %ne3A_444 = arith.xori %lt3A_441, %lt3A_443 : i1
        %and3A_445 = arith.andi %ne3A_444, %ne3A_439 : i1
        %add3A_446 = arith.addi %rem3A_437, %select_n3A_436 : i32
        %select_n3A_447 = arith.select %and3A_445, %add3A_446, %rem3A_437 : i32
        %mul3A_448 = arith.constant 16 : i32
        %mul3A_449 = arith.muli %select_n3A_447, %mul3A_448 : i32
        %add3A_450 = arith.addi %add3A_431, %mul3A_449 : i32
        %get3A = arith.index_cast %add3A_450 : i32 to index
        %get3A_451 = tpu.vector_load %arg12[%get3A] {strides = array<i32>} : memref<2048xi32, #tpu.memory_space<vmem>>, vector<16xi32>,
        %add3A_452 = arith.addi %add3A_73, %select_n3A_368 : i32
        %mul3A_453 = arith.constant 100000 : i32
        %mul3A_454 = arith.muli %add3A_452, %mul3A_453 : i32
        %add3A_455 = vector.broadcast %mul3A_454 : i32 to vector<16xi32>
        %add3A_456 = arith.addi %get3A_451, %add3A_455 : vector<16xi32>
        %jit3A_457 = arith.constant 8 : i32
        %div3A_458 = arith.divsi %scan3A_344, %jit3A_457 : i32
        %sign3A_459 = arith.constant 0 : i32
        %sign3A_460 = arith.cmpi sgt, %scan3A_344, %sign3A_459 : i32
        %sign3A_461 = arith.extui %sign3A_460 : i1 to i32
        %sign3A_462 = arith.constant 0 : i32
        %sign3A_463 = arith.cmpi slt, %scan3A_344, %sign3A_462 : i32
        %sign3A_464 = arith.extui %sign3A_463 : i1 to i32
        %sign3A_465 = arith.subi %sign3A_461, %sign3A_464 : i32
        %sign3A_466 = arith.constant 0 : i32
        %sign3A_467 = arith.cmpi sgt, %jit3A_457, %sign3A_466 : i32
        %sign3A_468 = arith.extui %sign3A_467 : i1 to i32
        %sign3A_469 = arith.constant 0 : i32
        %sign3A_470 = arith.cmpi slt, %jit3A_457, %sign3A_469 : i32
        %sign3A_471 = arith.extui %sign3A_470 : i1 to i32
        %sign3A_472 = arith.subi %sign3A_468, %sign3A_471 : i32
        %ne3A_473 = arith.cmpi ne, %sign3A_465, %sign3A_472 : i32
        %rem3A_474 = arith.remsi %scan3A_344, %jit3A_457 : i32
        %ne3A_475 = arith.constant 0 : i32
        %ne3A_476 = arith.cmpi ne, %rem3A_474, %ne3A_475 : i32
        %and3A_477 = arith.andi %ne3A_473, %ne3A_476 : i1
        %sub3A_478 = arith.constant 1 : i32
        %sub3A_479 = arith.subi %div3A_458, %sub3A_478 : i32
        %select_n3A_480 = arith.select %and3A_477, %sub3A_479, %div3A_458 : i32
        %swap3A = arith.index_cast %select_n3A_480 : i32 to index
        %swap3A_481 = arith.index_cast %mul3A_426 : i32 to index
        %swap3A_482 = tpu.vector_load %arg16[%swap3A, %swap3A_481] {strides = array<i32>} : memref<16x128xi32, #tpu.memory_space<vmem>>, vector<16xi32>,
        tpu.vector_store %arg16[%swap3A, %swap3A_481], %add3A_456 {strides = array<i32>} : memref<16x128xi32, #tpu.memory_space<vmem>>, vector<16xi32>,
      }
      %scan3A_84 = arith.constant 128 : i32
      %dma_start3A = arith.constant 0 : i32
      %dma_start3A_85 = arith.constant 0 : i32
      %dma_start3A_86 = tpu.memref_slice %arg15[%dma_start3A_85] : memref<2048xf32, #tpu.memory_space<vmem>> -> memref<128xf32, #tpu.memory_space<vmem>>
      %dma_start3A_87 = arith.constant 0 : i32
      %dma_start3A_88 = tpu.memref_slice %arg16[%dma_start3A, %dma_start3A_87] : memref<16x128xi32, #tpu.memory_space<vmem>> -> memref<1x128xi32, #tpu.memory_space<vmem>>
      %dma_start3A_89 = tpu.memref_squeeze %dma_start3A_88 : memref<1x128xi32, #tpu.memory_space<vmem>> -> memref<128xi32, #tpu.memory_space<vmem>>
      %dma_start3A_90 = arith.constant 0 : i32
      %dma_start3A_91 = tpu.memref_slice %arg5[%dma_start3A_90] : memref<6500000xf32, #tpu.memory_space<hbm>> -> memref<6500000xf32, #tpu.memory_space<hbm>>
      tpu.enqueue_indirect_dma source(%dma_start3A_91 : memref<6500000xf32, #tpu.memory_space<hbm>>) target(%dma_start3A_86 : memref<128xf32, #tpu.memory_space<vmem>>) offsets(%dma_start3A_89 : memref<128xi32, #tpu.memory_space<vmem>>) semaphore(%arg20 : memref<!tpu.dma_semaphore, #tpu.memory_space<semaphore_mem>>)
      %dma_start3A_92 = arith.constant 1 : i32
      %dma_start3A_93 = arith.constant 128 : i32
      %dma_start3A_94 = tpu.memref_slice %arg15[%dma_start3A_93] : memref<2048xf32, #tpu.memory_space<vmem>> -> memref<128xf32, #tpu.memory_space<vmem>>
      %dma_start3A_95 = arith.constant 0 : i32
      %dma_start3A_96 = tpu.memref_slice %arg16[%dma_start3A_92, %dma_start3A_95] : memref<16x128xi32, #tpu.memory_space<vmem>> -> memref<1x128xi32, #tpu.memory_space<vmem>>
      %dma_start3A_97 = tpu.memref_squeeze %dma_start3A_96 : memref<1x128xi32, #tpu.memory_space<vmem>> -> memref<128xi32, #tpu.memory_space<vmem>>
      %dma_start3A_98 = arith.constant 0 : i32
      %dma_start3A_99 = tpu.memref_slice %arg5[%dma_start3A_98] : memref<6500000xf32, #tpu.memory_space<hbm>> -> memref<6500000xf32, #tpu.memory_space<hbm>>
      tpu.enqueue_indirect_dma source(%dma_start3A_99 : memref<6500000xf32, #tpu.memory_space<hbm>>) target(%dma_start3A_94 : memref<128xf32, #tpu.memory_space<vmem>>) offsets(%dma_start3A_97 : memref<128xi32, #tpu.memory_space<vmem>>) semaphore(%arg20 : memref<!tpu.dma_semaphore, #tpu.memory_space<semaphore_mem>>)
      %dma_start3A_100 = arith.constant 2 : i32
      %dma_start3A_101 = arith.constant 256 : i32
      %dma_start3A_102 = tpu.memref_slice %arg15[%dma_start3A_101] : memref<2048xf32, #tpu.memory_space<vmem>> -> memref<128xf32, #tpu.memory_space<vmem>>
      %dma_start3A_103 = arith.constant 0 : i32
      %dma_start3A_104 = tpu.memref_slice %arg16[%dma_start3A_100, %dma_start3A_103] : memref<16x128xi32, #tpu.memory_space<vmem>> -> memref<1x128xi32, #tpu.memory_space<vmem>>
      %dma_start3A_105 = tpu.memref_squeeze %dma_start3A_104 : memref<1x128xi32, #tpu.memory_space<vmem>> -> memref<128xi32, #tpu.memory_space<vmem>>
      %dma_start3A_106 = arith.constant 0 : i32
      %dma_start3A_107 = tpu.memref_slice %arg5[%dma_start3A_106] : memref<6500000xf32, #tpu.memory_space<hbm>> -> memref<6500000xf32, #tpu.memory_space<hbm>>
      tpu.enqueue_indirect_dma source(%dma_start3A_107 : memref<6500000xf32, #tpu.memory_space<hbm>>) target(%dma_start3A_102 : memref<128xf32, #tpu.memory_space<vmem>>) offsets(%dma_start3A_105 : memref<128xi32, #tpu.memory_space<vmem>>) semaphore(%arg20 : memref<!tpu.dma_semaphore, #tpu.memory_space<semaphore_mem>>)
      %dma_start3A_108 = arith.constant 3 : i32
      %dma_start3A_109 = arith.constant 384 : i32
      %dma_start3A_110 = tpu.memref_slice %arg15[%dma_start3A_109] : memref<2048xf32, #tpu.memory_space<vmem>> -> memref<128xf32, #tpu.memory_space<vmem>>
      %dma_start3A_111 = arith.constant 0 : i32
      %dma_start3A_112 = tpu.memref_slice %arg16[%dma_start3A_108, %dma_start3A_111] : memref<16x128xi32, #tpu.memory_space<vmem>> -> memref<1x128xi32, #tpu.memory_space<vmem>>
      %dma_start3A_113 = tpu.memref_squeeze %dma_start3A_112 : memref<1x128xi32, #tpu.memory_space<vmem>> -> memref<128xi32, #tpu.memory_space<vmem>>
      %dma_start3A_114 = arith.constant 0 : i32
      %dma_start3A_115 = tpu.memref_slice %arg5[%dma_start3A_114] : memref<6500000xf32, #tpu.memory_space<hbm>> -> memref<6500000xf32, #tpu.memory_space<hbm>>
      tpu.enqueue_indirect_dma source(%dma_start3A_115 : memref<6500000xf32, #tpu.memory_space<hbm>>) target(%dma_start3A_110 : memref<128xf32, #tpu.memory_space<vmem>>) offsets(%dma_start3A_113 : memref<128xi32, #tpu.memory_space<vmem>>) semaphore(%arg20 : memref<!tpu.dma_semaphore, #tpu.memory_space<semaphore_mem>>)
      %dma_start3A_116 = arith.constant 4 : i32
      %dma_start3A_117 = arith.constant 512 : i32
      %dma_start3A_118 = tpu.memref_slice %arg15[%dma_start3A_117] : memref<2048xf32, #tpu.memory_space<vmem>> -> memref<128xf32, #tpu.memory_space<vmem>>
      %dma_start3A_119 = arith.constant 0 : i32
      %dma_start3A_120 = tpu.memref_slice %arg16[%dma_start3A_116, %dma_start3A_119] : memref<16x128xi32, #tpu.memory_space<vmem>> -> memref<1x128xi32, #tpu.memory_space<vmem>>
      %dma_start3A_121 = tpu.memref_squeeze %dma_start3A_120 : memref<1x128xi32, #tpu.memory_space<vmem>> -> memref<128xi32, #tpu.memory_space<vmem>>
      %dma_start3A_122 = arith.constant 0 : i32
      %dma_start3A_123 = tpu.memref_slice %arg5[%dma_start3A_122] : memref<6500000xf32, #tpu.memory_space<hbm>> -> memref<6500000xf32, #tpu.memory_space<hbm>>
      tpu.enqueue_indirect_dma source(%dma_start3A_123 : memref<6500000xf32, #tpu.memory_space<hbm>>) target(%dma_start3A_118 : memref<128xf32, #tpu.memory_space<vmem>>) offsets(%dma_start3A_121 : memref<128xi32, #tpu.memory_space<vmem>>) semaphore(%arg20 : memref<!tpu.dma_semaphore, #tpu.memory_space<semaphore_mem>>)
      %dma_start3A_124 = arith.constant 5 : i32
      %dma_start3A_125 = arith.constant 640 : i32
      %dma_start3A_126 = tpu.memref_slice %arg15[%dma_start3A_125] : memref<2048xf32, #tpu.memory_space<vmem>> -> memref<128xf32, #tpu.memory_space<vmem>>
      %dma_start3A_127 = arith.constant 0 : i32
      %dma_start3A_128 = tpu.memref_slice %arg16[%dma_start3A_124, %dma_start3A_127] : memref<16x128xi32, #tpu.memory_space<vmem>> -> memref<1x128xi32, #tpu.memory_space<vmem>>
      %dma_start3A_129 = tpu.memref_squeeze %dma_start3A_128 : memref<1x128xi32, #tpu.memory_space<vmem>> -> memref<128xi32, #tpu.memory_space<vmem>>
      %dma_start3A_130 = arith.constant 0 : i32
      %dma_start3A_131 = tpu.memref_slice %arg5[%dma_start3A_130] : memref<6500000xf32, #tpu.memory_space<hbm>> -> memref<6500000xf32, #tpu.memory_space<hbm>>
      tpu.enqueue_indirect_dma source(%dma_start3A_131 : memref<6500000xf32, #tpu.memory_space<hbm>>) target(%dma_start3A_126 : memref<128xf32, #tpu.memory_space<vmem>>) offsets(%dma_start3A_129 : memref<128xi32, #tpu.memory_space<vmem>>) semaphore(%arg20 : memref<!tpu.dma_semaphore, #tpu.memory_space<semaphore_mem>>)
      %dma_start3A_132 = arith.constant 6 : i32
      %dma_start3A_133 = arith.constant 768 : i32
      %dma_start3A_134 = tpu.memref_slice %arg15[%dma_start3A_133] : memref<2048xf32, #tpu.memory_space<vmem>> -> memref<128xf32, #tpu.memory_space<vmem>>
      %dma_start3A_135 = arith.constant 0 : i32
      %dma_start3A_136 = tpu.memref_slice %arg16[%dma_start3A_132, %dma_start3A_135] : memref<16x128xi32, #tpu.memory_space<vmem>> -> memref<1x128xi32, #tpu.memory_space<vmem>>
      %dma_start3A_137 = tpu.memref_squeeze %dma_start3A_136 : memref<1x128xi32, #tpu.memory_space<vmem>> -> memref<128xi32, #tpu.memory_space<vmem>>
      %dma_start3A_138 = arith.constant 0 : i32
      %dma_start3A_139 = tpu.memref_slice %arg5[%dma_start3A_138] : memref<6500000xf32, #tpu.memory_space<hbm>> -> memref<6500000xf32, #tpu.memory_space<hbm>>
      tpu.enqueue_indirect_dma source(%dma_start3A_139 : memref<6500000xf32, #tpu.memory_space<hbm>>) target(%dma_start3A_134 : memref<128xf32, #tpu.memory_space<vmem>>) offsets(%dma_start3A_137 : memref<128xi32, #tpu.memory_space<vmem>>) semaphore(%arg20 : memref<!tpu.dma_semaphore, #tpu.memory_space<semaphore_mem>>)
      %dma_start3A_140 = arith.constant 7 : i32
      %dma_start3A_141 = arith.constant 896 : i32
      %dma_start3A_142 = tpu.memref_slice %arg15[%dma_start3A_141] : memref<2048xf32, #tpu.memory_space<vmem>> -> memref<128xf32, #tpu.memory_space<vmem>>
      %dma_start3A_143 = arith.constant 0 : i32
      %dma_start3A_144 = tpu.memref_slice %arg16[%dma_start3A_140, %dma_start3A_143] : memref<16x128xi32, #tpu.memory_space<vmem>> -> memref<1x128xi32, #tpu.memory_space<vmem>>
      %dma_start3A_145 = tpu.memref_squeeze %dma_start3A_144 : memref<1x128xi32, #tpu.memory_space<vmem>> -> memref<128xi32, #tpu.memory_space<vmem>>
      %dma_start3A_146 = arith.constant 0 : i32
      %dma_start3A_147 = tpu.memref_slice %arg5[%dma_start3A_146] : memref<6500000xf32, #tpu.memory_space<hbm>> -> memref<6500000xf32, #tpu.memory_space<hbm>>
      tpu.enqueue_indirect_dma source(%dma_start3A_147 : memref<6500000xf32, #tpu.memory_space<hbm>>) target(%dma_start3A_142 : memref<128xf32, #tpu.memory_space<vmem>>) offsets(%dma_start3A_145 : memref<128xi32, #tpu.memory_space<vmem>>) semaphore(%arg20 : memref<!tpu.dma_semaphore, #tpu.memory_space<semaphore_mem>>)
      %dma_start3A_148 = arith.constant 8 : i32
      %dma_start3A_149 = arith.constant 1024 : i32
      %dma_start3A_150 = tpu.memref_slice %arg15[%dma_start3A_149] : memref<2048xf32, #tpu.memory_space<vmem>> -> memref<128xf32, #tpu.memory_space<vmem>>
      %dma_start3A_151 = arith.constant 0 : i32
      %dma_start3A_152 = tpu.memref_slice %arg16[%dma_start3A_148, %dma_start3A_151] : memref<16x128xi32, #tpu.memory_space<vmem>> -> memref<1x128xi32, #tpu.memory_space<vmem>>
      %dma_start3A_153 = tpu.memref_squeeze %dma_start3A_152 : memref<1x128xi32, #tpu.memory_space<vmem>> -> memref<128xi32, #tpu.memory_space<vmem>>
      %dma_start3A_154 = arith.constant 0 : i32
      %dma_start3A_155 = tpu.memref_slice %arg5[%dma_start3A_154] : memref<6500000xf32, #tpu.memory_space<hbm>> -> memref<6500000xf32, #tpu.memory_space<hbm>>
      tpu.enqueue_indirect_dma source(%dma_start3A_155 : memref<6500000xf32, #tpu.memory_space<hbm>>) target(%dma_start3A_150 : memref<128xf32, #tpu.memory_space<vmem>>) offsets(%dma_start3A_153 : memref<128xi32, #tpu.memory_space<vmem>>) semaphore(%arg20 : memref<!tpu.dma_semaphore, #tpu.memory_space<semaphore_mem>>)
      %dma_start3A_156 = arith.constant 9 : i32
      %dma_start3A_157 = arith.constant 1152 : i32
      %dma_start3A_158 = tpu.memref_slice %arg15[%dma_start3A_157] : memref<2048xf32, #tpu.memory_space<vmem>> -> memref<128xf32, #tpu.memory_space<vmem>>
      %dma_start3A_159 = arith.constant 0 : i32
      %dma_start3A_160 = tpu.memref_slice %arg16[%dma_start3A_156, %dma_start3A_159] : memref<16x128xi32, #tpu.memory_space<vmem>> -> memref<1x128xi32, #tpu.memory_space<vmem>>
      %dma_start3A_161 = tpu.memref_squeeze %dma_start3A_160 : memref<1x128xi32, #tpu.memory_space<vmem>> -> memref<128xi32, #tpu.memory_space<vmem>>
      %dma_start3A_162 = arith.constant 0 : i32
      %dma_start3A_163 = tpu.memref_slice %arg5[%dma_start3A_162] : memref<6500000xf32, #tpu.memory_space<hbm>> -> memref<6500000xf32, #tpu.memory_space<hbm>>
      tpu.enqueue_indirect_dma source(%dma_start3A_163 : memref<6500000xf32, #tpu.memory_space<hbm>>) target(%dma_start3A_158 : memref<128xf32, #tpu.memory_space<vmem>>) offsets(%dma_start3A_161 : memref<128xi32, #tpu.memory_space<vmem>>) semaphore(%arg20 : memref<!tpu.dma_semaphore, #tpu.memory_space<semaphore_mem>>)
      %dma_start3A_164 = arith.constant 10 : i32
      %dma_start3A_165 = arith.constant 1280 : i32
      %dma_start3A_166 = tpu.memref_slice %arg15[%dma_start3A_165] : memref<2048xf32, #tpu.memory_space<vmem>> -> memref<128xf32, #tpu.memory_space<vmem>>
      %dma_start3A_167 = arith.constant 0 : i32
      %dma_start3A_168 = tpu.memref_slice %arg16[%dma_start3A_164, %dma_start3A_167] : memref<16x128xi32, #tpu.memory_space<vmem>> -> memref<1x128xi32, #tpu.memory_space<vmem>>
      %dma_start3A_169 = tpu.memref_squeeze %dma_start3A_168 : memref<1x128xi32, #tpu.memory_space<vmem>> -> memref<128xi32, #tpu.memory_space<vmem>>
      %dma_start3A_170 = arith.constant 0 : i32
      %dma_start3A_171 = tpu.memref_slice %arg5[%dma_start3A_170] : memref<6500000xf32, #tpu.memory_space<hbm>> -> memref<6500000xf32, #tpu.memory_space<hbm>>
      tpu.enqueue_indirect_dma source(%dma_start3A_171 : memref<6500000xf32, #tpu.memory_space<hbm>>) target(%dma_start3A_166 : memref<128xf32, #tpu.memory_space<vmem>>) offsets(%dma_start3A_169 : memref<128xi32, #tpu.memory_space<vmem>>) semaphore(%arg20 : memref<!tpu.dma_semaphore, #tpu.memory_space<semaphore_mem>>)
      %dma_start3A_172 = arith.constant 11 : i32
      %dma_start3A_173 = arith.constant 1408 : i32
      %dma_start3A_174 = tpu.memref_slice %arg15[%dma_start3A_173] : memref<2048xf32, #tpu.memory_space<vmem>> -> memref<128xf32, #tpu.memory_space<vmem>>
      %dma_start3A_175 = arith.constant 0 : i32
      %dma_start3A_176 = tpu.memref_slice %arg16[%dma_start3A_172, %dma_start3A_175] : memref<16x128xi32, #tpu.memory_space<vmem>> -> memref<1x128xi32, #tpu.memory_space<vmem>>
      %dma_start3A_177 = tpu.memref_squeeze %dma_start3A_176 : memref<1x128xi32, #tpu.memory_space<vmem>> -> memref<128xi32, #tpu.memory_space<vmem>>
      %dma_start3A_178 = arith.constant 0 : i32
      %dma_start3A_179 = tpu.memref_slice %arg5[%dma_start3A_178] : memref<6500000xf32, #tpu.memory_space<hbm>> -> memref<6500000xf32, #tpu.memory_space<hbm>>
      tpu.enqueue_indirect_dma source(%dma_start3A_179 : memref<6500000xf32, #tpu.memory_space<hbm>>) target(%dma_start3A_174 : memref<128xf32, #tpu.memory_space<vmem>>) offsets(%dma_start3A_177 : memref<128xi32, #tpu.memory_space<vmem>>) semaphore(%arg20 : memref<!tpu.dma_semaphore, #tpu.memory_space<semaphore_mem>>)
      %dma_start3A_180 = arith.constant 12 : i32
      %dma_start3A_181 = arith.constant 1536 : i32
      %dma_start3A_182 = tpu.memref_slice %arg15[%dma_start3A_181] : memref<2048xf32, #tpu.memory_space<vmem>> -> memref<128xf32, #tpu.memory_space<vmem>>
      %dma_start3A_183 = arith.constant 0 : i32
      %dma_start3A_184 = tpu.memref_slice %arg16[%dma_start3A_180, %dma_start3A_183] : memref<16x128xi32, #tpu.memory_space<vmem>> -> memref<1x128xi32, #tpu.memory_space<vmem>>
      %dma_start3A_185 = tpu.memref_squeeze %dma_start3A_184 : memref<1x128xi32, #tpu.memory_space<vmem>> -> memref<128xi32, #tpu.memory_space<vmem>>
      %dma_start3A_186 = arith.constant 0 : i32
      %dma_start3A_187 = tpu.memref_slice %arg5[%dma_start3A_186] : memref<6500000xf32, #tpu.memory_space<hbm>> -> memref<6500000xf32, #tpu.memory_space<hbm>>
      tpu.enqueue_indirect_dma source(%dma_start3A_187 : memref<6500000xf32, #tpu.memory_space<hbm>>) target(%dma_start3A_182 : memref<128xf32, #tpu.memory_space<vmem>>) offsets(%dma_start3A_185 : memref<128xi32, #tpu.memory_space<vmem>>) semaphore(%arg20 : memref<!tpu.dma_semaphore, #tpu.memory_space<semaphore_mem>>)
      %dma_start3A_188 = arith.constant 13 : i32
      %dma_start3A_189 = arith.constant 1664 : i32
      %dma_start3A_190 = tpu.memref_slice %arg15[%dma_start3A_189] : memref<2048xf32, #tpu.memory_space<vmem>> -> memref<128xf32, #tpu.memory_space<vmem>>
      %dma_start3A_191 = arith.constant 0 : i32
      %dma_start3A_192 = tpu.memref_slice %arg16[%dma_start3A_188, %dma_start3A_191] : memref<16x128xi32, #tpu.memory_space<vmem>> -> memref<1x128xi32, #tpu.memory_space<vmem>>
      %dma_start3A_193 = tpu.memref_squeeze %dma_start3A_192 : memref<1x128xi32, #tpu.memory_space<vmem>> -> memref<128xi32, #tpu.memory_space<vmem>>
      %dma_start3A_194 = arith.constant 0 : i32
      %dma_start3A_195 = tpu.memref_slice %arg5[%dma_start3A_194] : memref<6500000xf32, #tpu.memory_space<hbm>> -> memref<6500000xf32, #tpu.memory_space<hbm>>
      tpu.enqueue_indirect_dma source(%dma_start3A_195 : memref<6500000xf32, #tpu.memory_space<hbm>>) target(%dma_start3A_190 : memref<128xf32, #tpu.memory_space<vmem>>) offsets(%dma_start3A_193 : memref<128xi32, #tpu.memory_space<vmem>>) semaphore(%arg20 : memref<!tpu.dma_semaphore, #tpu.memory_space<semaphore_mem>>)
      %dma_start3A_196 = arith.constant 14 : i32
      %dma_start3A_197 = arith.constant 1792 : i32
      %dma_start3A_198 = tpu.memref_slice %arg15[%dma_start3A_197] : memref<2048xf32, #tpu.memory_space<vmem>> -> memref<128xf32, #tpu.memory_space<vmem>>
      %dma_start3A_199 = arith.constant 0 : i32
      %dma_start3A_200 = tpu.memref_slice %arg16[%dma_start3A_196, %dma_start3A_199] : memref<16x128xi32, #tpu.memory_space<vmem>> -> memref<1x128xi32, #tpu.memory_space<vmem>>
      %dma_start3A_201 = tpu.memref_squeeze %dma_start3A_200 : memref<1x128xi32, #tpu.memory_space<vmem>> -> memref<128xi32, #tpu.memory_space<vmem>>
      %dma_start3A_202 = arith.constant 0 : i32
      %dma_start3A_203 = tpu.memref_slice %arg5[%dma_start3A_202] : memref<6500000xf32, #tpu.memory_space<hbm>> -> memref<6500000xf32, #tpu.memory_space<hbm>>
      tpu.enqueue_indirect_dma source(%dma_start3A_203 : memref<6500000xf32, #tpu.memory_space<hbm>>) target(%dma_start3A_198 : memref<128xf32, #tpu.memory_space<vmem>>) offsets(%dma_start3A_201 : memref<128xi32, #tpu.memory_space<vmem>>) semaphore(%arg20 : memref<!tpu.dma_semaphore, #tpu.memory_space<semaphore_mem>>)
      %dma_start3A_204 = arith.constant 15 : i32
      %dma_start3A_205 = arith.constant 1920 : i32
      %dma_start3A_206 = tpu.memref_slice %arg15[%dma_start3A_205] : memref<2048xf32, #tpu.memory_space<vmem>> -> memref<128xf32, #tpu.memory_space<vmem>>
      %dma_start3A_207 = arith.constant 0 : i32
      %dma_start3A_208 = tpu.memref_slice %arg16[%dma_start3A_204, %dma_start3A_207] : memref<16x128xi32, #tpu.memory_space<vmem>> -> memref<1x128xi32, #tpu.memory_space<vmem>>
      %dma_start3A_209 = tpu.memref_squeeze %dma_start3A_208 : memref<1x128xi32, #tpu.memory_space<vmem>> -> memref<128xi32, #tpu.memory_space<vmem>>
      %dma_start3A_210 = arith.constant 0 : i32
      %dma_start3A_211 = tpu.memref_slice %arg5[%dma_start3A_210] : memref<6500000xf32, #tpu.memory_space<hbm>> -> memref<6500000xf32, #tpu.memory_space<hbm>>
      tpu.enqueue_indirect_dma source(%dma_start3A_211 : memref<6500000xf32, #tpu.memory_space<hbm>>) target(%dma_start3A_206 : memref<128xf32, #tpu.memory_space<vmem>>) offsets(%dma_start3A_209 : memref<128xi32, #tpu.memory_space<vmem>>) semaphore(%arg20 : memref<!tpu.dma_semaphore, #tpu.memory_space<semaphore_mem>>)
      "tpu.region"() ({
        %run_scoped3A = tpu.sem_alloc : memref<!tpu.dma_semaphore, #tpu.memory_space<semaphore_mem>>
        %dma_start3A_344 = tpu.memref_slice %arg4[%add3A_73, %min3A_79] : memref<64x1000000xf32, #tpu.memory_space<hbm>> -> memref<8x8192xf32, #tpu.memory_space<hbm>>
        %dma_start3A_345 = tpu.memref_slice %arg4[%add3A_73, %min3A_79] : memref<64x1000000xf32, #tpu.memory_space<hbm>> -> memref<8x8192xf32, #tpu.memory_space<hbm>>
        tpu.enqueue_dma source(%dma_start3A_345 : memref<8x8192xf32, #tpu.memory_space<hbm>>) target(%arg18 : memref<8x8192xf32, #tpu.memory_space<vmem>>) target_semaphore(%run_scoped3A : memref<!tpu.dma_semaphore, #tpu.memory_space<semaphore_mem>>)
        %dma_wait3A_346 = tpu.memref_slice %arg4[%add3A_73, %min3A_79] : memref<64x1000000xf32, #tpu.memory_space<hbm>> -> memref<8x8192xf32, #tpu.memory_space<hbm>>
        %dma_wait3A_347 = tpu.memref_slice %arg4[%add3A_73, %min3A_79] : memref<64x1000000xf32, #tpu.memory_space<hbm>> -> memref<8x8192xf32, #tpu.memory_space<hbm>>
        tpu.wait_dma2 semaphore(%run_scoped3A : memref<!tpu.dma_semaphore, #tpu.memory_space<semaphore_mem>>) src(%dma_wait3A_347 : memref<8x8192xf32, #tpu.memory_space<hbm>>) dst(%arg18 : memref<8x8192xf32, #tpu.memory_space<vmem>>)
        tpu.yield
      }) : () -> ()
      %dma_wait3A = arith.constant 0 : i32
      %dma_wait3A_212 = arith.constant 0 : i32
      %dma_wait3A_213 = tpu.memref_slice %arg15[%dma_wait3A_212] : memref<2048xf32, #tpu.memory_space<vmem>> -> memref<128xf32, #tpu.memory_space<vmem>>
      %dma_wait3A_214 = arith.constant 0 : i32
      %dma_wait3A_215 = tpu.memref_slice %arg16[%dma_wait3A, %dma_wait3A_214] : memref<16x128xi32, #tpu.memory_space<vmem>> -> memref<1x128xi32, #tpu.memory_space<vmem>>
      %dma_wait3A_216 = tpu.memref_squeeze %dma_wait3A_215 : memref<1x128xi32, #tpu.memory_space<vmem>> -> memref<128xi32, #tpu.memory_space<vmem>>
      %dma_wait3A_217 = arith.constant 0 : i32
      %dma_wait3A_218 = tpu.memref_slice %arg5[%dma_wait3A_217] : memref<6500000xf32, #tpu.memory_space<hbm>> -> memref<6500000xf32, #tpu.memory_space<hbm>>
      tpu.wait_indirect_dma semaphore(%arg20 : memref<!tpu.dma_semaphore, #tpu.memory_space<semaphore_mem>>) src(%dma_wait3A_218 : memref<6500000xf32, #tpu.memory_space<hbm>>) dst(%dma_wait3A_213 : memref<128xf32, #tpu.memory_space<vmem>>)
      %dma_wait3A_219 = arith.constant 1 : i32
      %dma_wait3A_220 = arith.constant 128 : i32
      %dma_wait3A_221 = tpu.memref_slice %arg15[%dma_wait3A_220] : memref<2048xf32, #tpu.memory_space<vmem>> -> memref<128xf32, #tpu.memory_space<vmem>>
      %dma_wait3A_222 = arith.constant 0 : i32
      %dma_wait3A_223 = tpu.memref_slice %arg16[%dma_wait3A_219, %dma_wait3A_222] : memref<16x128xi32, #tpu.memory_space<vmem>> -> memref<1x128xi32, #tpu.memory_space<vmem>>
      %dma_wait3A_224 = tpu.memref_squeeze %dma_wait3A_223 : memref<1x128xi32, #tpu.memory_space<vmem>> -> memref<128xi32, #tpu.memory_space<vmem>>
      %dma_wait3A_225 = arith.constant 0 : i32
      %dma_wait3A_226 = tpu.memref_slice %arg5[%dma_wait3A_225] : memref<6500000xf32, #tpu.memory_space<hbm>> -> memref<6500000xf32, #tpu.memory_space<hbm>>
      tpu.wait_indirect_dma semaphore(%arg20 : memref<!tpu.dma_semaphore, #tpu.memory_space<semaphore_mem>>) src(%dma_wait3A_226 : memref<6500000xf32, #tpu.memory_space<hbm>>) dst(%dma_wait3A_221 : memref<128xf32, #tpu.memory_space<vmem>>)
      %dma_wait3A_227 = arith.constant 2 : i32
      %dma_wait3A_228 = arith.constant 256 : i32
      %dma_wait3A_229 = tpu.memref_slice %arg15[%dma_wait3A_228] : memref<2048xf32, #tpu.memory_space<vmem>> -> memref<128xf32, #tpu.memory_space<vmem>>
      %dma_wait3A_230 = arith.constant 0 : i32
      %dma_wait3A_231 = tpu.memref_slice %arg16[%dma_wait3A_227, %dma_wait3A_230] : memref<16x128xi32, #tpu.memory_space<vmem>> -> memref<1x128xi32, #tpu.memory_space<vmem>>
      %dma_wait3A_232 = tpu.memref_squeeze %dma_wait3A_231 : memref<1x128xi32, #tpu.memory_space<vmem>> -> memref<128xi32, #tpu.memory_space<vmem>>
      %dma_wait3A_233 = arith.constant 0 : i32
      %dma_wait3A_234 = tpu.memref_slice %arg5[%dma_wait3A_233] : memref<6500000xf32, #tpu.memory_space<hbm>> -> memref<6500000xf32, #tpu.memory_space<hbm>>
      tpu.wait_indirect_dma semaphore(%arg20 : memref<!tpu.dma_semaphore, #tpu.memory_space<semaphore_mem>>) src(%dma_wait3A_234 : memref<6500000xf32, #tpu.memory_space<hbm>>) dst(%dma_wait3A_229 : memref<128xf32, #tpu.memory_space<vmem>>)
      %dma_wait3A_235 = arith.constant 3 : i32
      %dma_wait3A_236 = arith.constant 384 : i32
      %dma_wait3A_237 = tpu.memref_slice %arg15[%dma_wait3A_236] : memref<2048xf32, #tpu.memory_space<vmem>> -> memref<128xf32, #tpu.memory_space<vmem>>
      %dma_wait3A_238 = arith.constant 0 : i32
      %dma_wait3A_239 = tpu.memref_slice %arg16[%dma_wait3A_235, %dma_wait3A_238] : memref<16x128xi32, #tpu.memory_space<vmem>> -> memref<1x128xi32, #tpu.memory_space<vmem>>
      %dma_wait3A_240 = tpu.memref_squeeze %dma_wait3A_239 : memref<1x128xi32, #tpu.memory_space<vmem>> -> memref<128xi32, #tpu.memory_space<vmem>>
      %dma_wait3A_241 = arith.constant 0 : i32
      %dma_wait3A_242 = tpu.memref_slice %arg5[%dma_wait3A_241] : memref<6500000xf32, #tpu.memory_space<hbm>> -> memref<6500000xf32, #tpu.memory_space<hbm>>
      tpu.wait_indirect_dma semaphore(%arg20 : memref<!tpu.dma_semaphore, #tpu.memory_space<semaphore_mem>>) src(%dma_wait3A_242 : memref<6500000xf32, #tpu.memory_space<hbm>>) dst(%dma_wait3A_237 : memref<128xf32, #tpu.memory_space<vmem>>)
      %dma_wait3A_243 = arith.constant 4 : i32
      %dma_wait3A_244 = arith.constant 512 : i32
      %dma_wait3A_245 = tpu.memref_slice %arg15[%dma_wait3A_244] : memref<2048xf32, #tpu.memory_space<vmem>> -> memref<128xf32, #tpu.memory_space<vmem>>
      %dma_wait3A_246 = arith.constant 0 : i32
      %dma_wait3A_247 = tpu.memref_slice %arg16[%dma_wait3A_243, %dma_wait3A_246] : memref<16x128xi32, #tpu.memory_space<vmem>> -> memref<1x128xi32, #tpu.memory_space<vmem>>
      %dma_wait3A_248 = tpu.memref_squeeze %dma_wait3A_247 : memref<1x128xi32, #tpu.memory_space<vmem>> -> memref<128xi32, #tpu.memory_space<vmem>>
      %dma_wait3A_249 = arith.constant 0 : i32
      %dma_wait3A_250 = tpu.memref_slice %arg5[%dma_wait3A_249] : memref<6500000xf32, #tpu.memory_space<hbm>> -> memref<6500000xf32, #tpu.memory_space<hbm>>
      tpu.wait_indirect_dma semaphore(%arg20 : memref<!tpu.dma_semaphore, #tpu.memory_space<semaphore_mem>>) src(%dma_wait3A_250 : memref<6500000xf32, #tpu.memory_space<hbm>>) dst(%dma_wait3A_245 : memref<128xf32, #tpu.memory_space<vmem>>)
      %dma_wait3A_251 = arith.constant 5 : i32
      %dma_wait3A_252 = arith.constant 640 : i32
      %dma_wait3A_253 = tpu.memref_slice %arg15[%dma_wait3A_252] : memref<2048xf32, #tpu.memory_space<vmem>> -> memref<128xf32, #tpu.memory_space<vmem>>
      %dma_wait3A_254 = arith.constant 0 : i32
      %dma_wait3A_255 = tpu.memref_slice %arg16[%dma_wait3A_251, %dma_wait3A_254] : memref<16x128xi32, #tpu.memory_space<vmem>> -> memref<1x128xi32, #tpu.memory_space<vmem>>
      %dma_wait3A_256 = tpu.memref_squeeze %dma_wait3A_255 : memref<1x128xi32, #tpu.memory_space<vmem>> -> memref<128xi32, #tpu.memory_space<vmem>>
      %dma_wait3A_257 = arith.constant 0 : i32
      %dma_wait3A_258 = tpu.memref_slice %arg5[%dma_wait3A_257] : memref<6500000xf32, #tpu.memory_space<hbm>> -> memref<6500000xf32, #tpu.memory_space<hbm>>
      tpu.wait_indirect_dma semaphore(%arg20 : memref<!tpu.dma_semaphore, #tpu.memory_space<semaphore_mem>>) src(%dma_wait3A_258 : memref<6500000xf32, #tpu.memory_space<hbm>>) dst(%dma_wait3A_253 : memref<128xf32, #tpu.memory_space<vmem>>)
      %dma_wait3A_259 = arith.constant 6 : i32
      %dma_wait3A_260 = arith.constant 768 : i32
      %dma_wait3A_261 = tpu.memref_slice %arg15[%dma_wait3A_260] : memref<2048xf32, #tpu.memory_space<vmem>> -> memref<128xf32, #tpu.memory_space<vmem>>
      %dma_wait3A_262 = arith.constant 0 : i32
      %dma_wait3A_263 = tpu.memref_slice %arg16[%dma_wait3A_259, %dma_wait3A_262] : memref<16x128xi32, #tpu.memory_space<vmem>> -> memref<1x128xi32, #tpu.memory_space<vmem>>
      %dma_wait3A_264 = tpu.memref_squeeze %dma_wait3A_263 : memref<1x128xi32, #tpu.memory_space<vmem>> -> memref<128xi32, #tpu.memory_space<vmem>>
      %dma_wait3A_265 = arith.constant 0 : i32
      %dma_wait3A_266 = tpu.memref_slice %arg5[%dma_wait3A_265] : memref<6500000xf32, #tpu.memory_space<hbm>> -> memref<6500000xf32, #tpu.memory_space<hbm>>
      tpu.wait_indirect_dma semaphore(%arg20 : memref<!tpu.dma_semaphore, #tpu.memory_space<semaphore_mem>>) src(%dma_wait3A_266 : memref<6500000xf32, #tpu.memory_space<hbm>>) dst(%dma_wait3A_261 : memref<128xf32, #tpu.memory_space<vmem>>)
      %dma_wait3A_267 = arith.constant 7 : i32
      %dma_wait3A_268 = arith.constant 896 : i32
      %dma_wait3A_269 = tpu.memref_slice %arg15[%dma_wait3A_268] : memref<2048xf32, #tpu.memory_space<vmem>> -> memref<128xf32, #tpu.memory_space<vmem>>
      %dma_wait3A_270 = arith.constant 0 : i32
      %dma_wait3A_271 = tpu.memref_slice %arg16[%dma_wait3A_267, %dma_wait3A_270] : memref<16x128xi32, #tpu.memory_space<vmem>> -> memref<1x128xi32, #tpu.memory_space<vmem>>
      %dma_wait3A_272 = tpu.memref_squeeze %dma_wait3A_271 : memref<1x128xi32, #tpu.memory_space<vmem>> -> memref<128xi32, #tpu.memory_space<vmem>>
      %dma_wait3A_273 = arith.constant 0 : i32
      %dma_wait3A_274 = tpu.memref_slice %arg5[%dma_wait3A_273] : memref<6500000xf32, #tpu.memory_space<hbm>> -> memref<6500000xf32, #tpu.memory_space<hbm>>
      tpu.wait_indirect_dma semaphore(%arg20 : memref<!tpu.dma_semaphore, #tpu.memory_space<semaphore_mem>>) src(%dma_wait3A_274 : memref<6500000xf32, #tpu.memory_space<hbm>>) dst(%dma_wait3A_269 : memref<128xf32, #tpu.memory_space<vmem>>)
      %dma_wait3A_275 = arith.constant 8 : i32
      %dma_wait3A_276 = arith.constant 1024 : i32
      %dma_wait3A_277 = tpu.memref_slice %arg15[%dma_wait3A_276] : memref<2048xf32, #tpu.memory_space<vmem>> -> memref<128xf32, #tpu.memory_space<vmem>>
      %dma_wait3A_278 = arith.constant 0 : i32
      %dma_wait3A_279 = tpu.memref_slice %arg16[%dma_wait3A_275, %dma_wait3A_278] : memref<16x128xi32, #tpu.memory_space<vmem>> -> memref<1x128xi32, #tpu.memory_space<vmem>>
      %dma_wait3A_280 = tpu.memref_squeeze %dma_wait3A_279 : memref<1x128xi32, #tpu.memory_space<vmem>> -> memref<128xi32, #tpu.memory_space<vmem>>
      %dma_wait3A_281 = arith.constant 0 : i32
      %dma_wait3A_282 = tpu.memref_slice %arg5[%dma_wait3A_281] : memref<6500000xf32, #tpu.memory_space<hbm>> -> memref<6500000xf32, #tpu.memory_space<hbm>>
      tpu.wait_indirect_dma semaphore(%arg20 : memref<!tpu.dma_semaphore, #tpu.memory_space<semaphore_mem>>) src(%dma_wait3A_282 : memref<6500000xf32, #tpu.memory_space<hbm>>) dst(%dma_wait3A_277 : memref<128xf32, #tpu.memory_space<vmem>>)
      %dma_wait3A_283 = arith.constant 9 : i32
      %dma_wait3A_284 = arith.constant 1152 : i32
      %dma_wait3A_285 = tpu.memref_slice %arg15[%dma_wait3A_284] : memref<2048xf32, #tpu.memory_space<vmem>> -> memref<128xf32, #tpu.memory_space<vmem>>
      %dma_wait3A_286 = arith.constant 0 : i32
      %dma_wait3A_287 = tpu.memref_slice %arg16[%dma_wait3A_283, %dma_wait3A_286] : memref<16x128xi32, #tpu.memory_space<vmem>> -> memref<1x128xi32, #tpu.memory_space<vmem>>
      %dma_wait3A_288 = tpu.memref_squeeze %dma_wait3A_287 : memref<1x128xi32, #tpu.memory_space<vmem>> -> memref<128xi32, #tpu.memory_space<vmem>>
      %dma_wait3A_289 = arith.constant 0 : i32
      %dma_wait3A_290 = tpu.memref_slice %arg5[%dma_wait3A_289] : memref<6500000xf32, #tpu.memory_space<hbm>> -> memref<6500000xf32, #tpu.memory_space<hbm>>
      tpu.wait_indirect_dma semaphore(%arg20 : memref<!tpu.dma_semaphore, #tpu.memory_space<semaphore_mem>>) src(%dma_wait3A_290 : memref<6500000xf32, #tpu.memory_space<hbm>>) dst(%dma_wait3A_285 : memref<128xf32, #tpu.memory_space<vmem>>)
      %dma_wait3A_291 = arith.constant 10 : i32
      %dma_wait3A_292 = arith.constant 1280 : i32
      %dma_wait3A_293 = tpu.memref_slice %arg15[%dma_wait3A_292] : memref<2048xf32, #tpu.memory_space<vmem>> -> memref<128xf32, #tpu.memory_space<vmem>>
      %dma_wait3A_294 = arith.constant 0 : i32
      %dma_wait3A_295 = tpu.memref_slice %arg16[%dma_wait3A_291, %dma_wait3A_294] : memref<16x128xi32, #tpu.memory_space<vmem>> -> memref<1x128xi32, #tpu.memory_space<vmem>>
      %dma_wait3A_296 = tpu.memref_squeeze %dma_wait3A_295 : memref<1x128xi32, #tpu.memory_space<vmem>> -> memref<128xi32, #tpu.memory_space<vmem>>
      %dma_wait3A_297 = arith.constant 0 : i32
      %dma_wait3A_298 = tpu.memref_slice %arg5[%dma_wait3A_297] : memref<6500000xf32, #tpu.memory_space<hbm>> -> memref<6500000xf32, #tpu.memory_space<hbm>>
      tpu.wait_indirect_dma semaphore(%arg20 : memref<!tpu.dma_semaphore, #tpu.memory_space<semaphore_mem>>) src(%dma_wait3A_298 : memref<6500000xf32, #tpu.memory_space<hbm>>) dst(%dma_wait3A_293 : memref<128xf32, #tpu.memory_space<vmem>>)
      %dma_wait3A_299 = arith.constant 11 : i32
      %dma_wait3A_300 = arith.constant 1408 : i32
      %dma_wait3A_301 = tpu.memref_slice %arg15[%dma_wait3A_300] : memref<2048xf32, #tpu.memory_space<vmem>> -> memref<128xf32, #tpu.memory_space<vmem>>
      %dma_wait3A_302 = arith.constant 0 : i32
      %dma_wait3A_303 = tpu.memref_slice %arg16[%dma_wait3A_299, %dma_wait3A_302] : memref<16x128xi32, #tpu.memory_space<vmem>> -> memref<1x128xi32, #tpu.memory_space<vmem>>
      %dma_wait3A_304 = tpu.memref_squeeze %dma_wait3A_303 : memref<1x128xi32, #tpu.memory_space<vmem>> -> memref<128xi32, #tpu.memory_space<vmem>>
      %dma_wait3A_305 = arith.constant 0 : i32
      %dma_wait3A_306 = tpu.memref_slice %arg5[%dma_wait3A_305] : memref<6500000xf32, #tpu.memory_space<hbm>> -> memref<6500000xf32, #tpu.memory_space<hbm>>
      tpu.wait_indirect_dma semaphore(%arg20 : memref<!tpu.dma_semaphore, #tpu.memory_space<semaphore_mem>>) src(%dma_wait3A_306 : memref<6500000xf32, #tpu.memory_space<hbm>>) dst(%dma_wait3A_301 : memref<128xf32, #tpu.memory_space<vmem>>)
      %dma_wait3A_307 = arith.constant 12 : i32
      %dma_wait3A_308 = arith.constant 1536 : i32
      %dma_wait3A_309 = tpu.memref_slice %arg15[%dma_wait3A_308] : memref<2048xf32, #tpu.memory_space<vmem>> -> memref<128xf32, #tpu.memory_space<vmem>>
      %dma_wait3A_310 = arith.constant 0 : i32
      %dma_wait3A_311 = tpu.memref_slice %arg16[%dma_wait3A_307, %dma_wait3A_310] : memref<16x128xi32, #tpu.memory_space<vmem>> -> memref<1x128xi32, #tpu.memory_space<vmem>>
      %dma_wait3A_312 = tpu.memref_squeeze %dma_wait3A_311 : memref<1x128xi32, #tpu.memory_space<vmem>> -> memref<128xi32, #tpu.memory_space<vmem>>
      %dma_wait3A_313 = arith.constant 0 : i32
      %dma_wait3A_314 = tpu.memref_slice %arg5[%dma_wait3A_313] : memref<6500000xf32, #tpu.memory_space<hbm>> -> memref<6500000xf32, #tpu.memory_space<hbm>>
      tpu.wait_indirect_dma semaphore(%arg20 : memref<!tpu.dma_semaphore, #tpu.memory_space<semaphore_mem>>) src(%dma_wait3A_314 : memref<6500000xf32, #tpu.memory_space<hbm>>) dst(%dma_wait3A_309 : memref<128xf32, #tpu.memory_space<vmem>>)
      %dma_wait3A_315 = arith.constant 13 : i32
      %dma_wait3A_316 = arith.constant 1664 : i32
      %dma_wait3A_317 = tpu.memref_slice %arg15[%dma_wait3A_316] : memref<2048xf32, #tpu.memory_space<vmem>> -> memref<128xf32, #tpu.memory_space<vmem>>
      %dma_wait3A_318 = arith.constant 0 : i32
      %dma_wait3A_319 = tpu.memref_slice %arg16[%dma_wait3A_315, %dma_wait3A_318] : memref<16x128xi32, #tpu.memory_space<vmem>> -> memref<1x128xi32, #tpu.memory_space<vmem>>
      %dma_wait3A_320 = tpu.memref_squeeze %dma_wait3A_319 : memref<1x128xi32, #tpu.memory_space<vmem>> -> memref<128xi32, #tpu.memory_space<vmem>>
      %dma_wait3A_321 = arith.constant 0 : i32
      %dma_wait3A_322 = tpu.memref_slice %arg5[%dma_wait3A_321] : memref<6500000xf32, #tpu.memory_space<hbm>> -> memref<6500000xf32, #tpu.memory_space<hbm>>
      tpu.wait_indirect_dma semaphore(%arg20 : memref<!tpu.dma_semaphore, #tpu.memory_space<semaphore_mem>>) src(%dma_wait3A_322 : memref<6500000xf32, #tpu.memory_space<hbm>>) dst(%dma_wait3A_317 : memref<128xf32, #tpu.memory_space<vmem>>)
      %dma_wait3A_323 = arith.constant 14 : i32
      %dma_wait3A_324 = arith.constant 1792 : i32
      %dma_wait3A_325 = tpu.memref_slice %arg15[%dma_wait3A_324] : memref<2048xf32, #tpu.memory_space<vmem>> -> memref<128xf32, #tpu.memory_space<vmem>>
      %dma_wait3A_326 = arith.constant 0 : i32
      %dma_wait3A_327 = tpu.memref_slice %arg16[%dma_wait3A_323, %dma_wait3A_326] : memref<16x128xi32, #tpu.memory_space<vmem>> -> memref<1x128xi32, #tpu.memory_space<vmem>>
      %dma_wait3A_328 = tpu.memref_squeeze %dma_wait3A_327 : memref<1x128xi32, #tpu.memory_space<vmem>> -> memref<128xi32, #tpu.memory_space<vmem>>
      %dma_wait3A_329 = arith.constant 0 : i32
      %dma_wait3A_330 = tpu.memref_slice %arg5[%dma_wait3A_329] : memref<6500000xf32, #tpu.memory_space<hbm>> -> memref<6500000xf32, #tpu.memory_space<hbm>>
      tpu.wait_indirect_dma semaphore(%arg20 : memref<!tpu.dma_semaphore, #tpu.memory_space<semaphore_mem>>) src(%dma_wait3A_330 : memref<6500000xf32, #tpu.memory_space<hbm>>) dst(%dma_wait3A_325 : memref<128xf32, #tpu.memory_space<vmem>>)
      %dma_wait3A_331 = arith.constant 15 : i32
      %dma_wait3A_332 = arith.constant 1920 : i32
      %dma_wait3A_333 = tpu.memref_slice %arg15[%dma_wait3A_332] : memref<2048xf32, #tpu.memory_space<vmem>> -> memref<128xf32, #tpu.memory_space<vmem>>
      %dma_wait3A_334 = arith.constant 0 : i32
      %dma_wait3A_335 = tpu.memref_slice %arg16[%dma_wait3A_331, %dma_wait3A_334] : memref<16x128xi32, #tpu.memory_space<vmem>> -> memref<1x128xi32, #tpu.memory_space<vmem>>
      %dma_wait3A_336 = tpu.memref_squeeze %dma_wait3A_335 : memref<1x128xi32, #tpu.memory_space<vmem>> -> memref<128xi32, #tpu.memory_space<vmem>>
      %dma_wait3A_337 = arith.constant 0 : i32
      %dma_wait3A_338 = tpu.memref_slice %arg5[%dma_wait3A_337] : memref<6500000xf32, #tpu.memory_space<hbm>> -> memref<6500000xf32, #tpu.memory_space<hbm>>
      tpu.wait_indirect_dma semaphore(%arg20 : memref<!tpu.dma_semaphore, #tpu.memory_space<semaphore_mem>>) src(%dma_wait3A_338 : memref<6500000xf32, #tpu.memory_space<hbm>>) dst(%dma_wait3A_333 : memref<128xf32, #tpu.memory_space<vmem>>)
      %scan3A_339 = arith.constant 0 : i32
      %scan3A_340 = arith.constant 8 : i32
      %scan3A_341 = arith.addi %scan3A_339, %scan3A_340 : i32
      %scan3A_342 = arith.constant 1 : i32
      scf.for %scan3A_344 = %scan3A_339 to %scan3A_341 step %scan3A_342  : i32 {
        %broadcast_in_dim3A = vector.broadcast %scan3A_344 : i32 to vector<16xi32>
        %add3A_345 = arith.addi %add3A_73, %scan3A_344 : i32
        %mul3A_346 = arith.constant 64 : i32
        %mul3A_347 = arith.muli %add3A_345, %mul3A_346 : i32
        %broadcast_in_dim3A_348 = vector.broadcast %mul3A_347 : i32 to vector<16xi32>
        %scan3A_349 = arith.constant 0 : i32
        %scan3A_350 = arith.constant 16 : i32
        %scan3A_351 = arith.addi %scan3A_349, %scan3A_350 : i32
        %scan3A_352 = arith.constant 1 : i32
        scf.for %scan3A_354 = %scan3A_349 to %scan3A_351 step %scan3A_352  : i32 {
          %mul3A_355 = arith.constant 256 : i32
          %mul3A_356 = arith.muli %select_n3A_70, %mul3A_355 : i32
          %mul3A_357 = arith.constant 16 : i32
          %mul3A_358 = arith.muli %scan3A_354, %mul3A_357 : i32
          %add3A_359 = arith.addi %mul3A_356, %mul3A_358 : i32
          %get3A = arith.index_cast %add3A_359 : i32 to index
          %get3A_360 = tpu.vector_load %arg11[%get3A] {strides = array<i32>} : memref<2048xi32, #tpu.memory_space<vmem>>, vector<16xi32>,
          %min3A_361 = arith.constant 8191 : i32
          %min3A_362 = vector.broadcast %min3A_361 : i32 to vector<16xi32>
          %min3A_363 = arith.minsi %get3A_360, %min3A_362 : vector<16xi32>
          %gather3A = tpu.vector_load_idx %arg18[%broadcast_in_dim3A, %min3A_363] : memref<8x8192xf32, #tpu.memory_space<vmem>>[vector<16xi32>, vector<16xi32>], vector<16xf32>,
          %sub3A_364 = arith.constant 8192 : i32
          %sub3A_365 = vector.broadcast %sub3A_364 : i32 to vector<16xi32>
          %sub3A_366 = arith.subi %get3A_360, %sub3A_365 : vector<16xi32>
          %max3A = arith.constant 0 : i32
          %max3A_367 = vector.broadcast %max3A : i32 to vector<16xi32>
          %max3A_368 = arith.maxsi %sub3A_366, %max3A_367 : vector<16xi32>
          %add3A_369 = arith.addi %broadcast_in_dim3A_348, %max3A_368 : vector<16xi32>
          %gather3A_370 = tpu.vector_load_idx %arg19[%add3A_369] : memref<4096xf32, #tpu.memory_space<vmem>>[vector<16xi32>], vector<16xf32>,
          %ge3A = arith.constant 0 : i32
          %ge3A_371 = vector.broadcast %ge3A : i32 to vector<16xi32>
          %ge3A_372 = arith.cmpi sge, %sub3A_366, %ge3A_371 : vector<16xi32>
          %select_n3A_373 = arith.select %ge3A_372, %gather3A_370, %gather3A : vector<16xi1>, vector<16xf32>
          %get3A_374 = arith.index_cast %add3A_359 : i32 to index
          %get3A_375 = tpu.vector_load %arg14[%get3A_374] {strides = array<i32>} : memref<2048xf32, #tpu.memory_space<vmem>>, vector<16xf32>,
          %mul3A_376 = arith.constant 256 : i32
          %mul3A_377 = arith.muli %scan3A_344, %mul3A_376 : i32
          %mul3A_378 = arith.constant 16 : i32
          %mul3A_379 = arith.muli %scan3A_354, %mul3A_378 : i32
          %add3A_380 = arith.addi %mul3A_377, %mul3A_379 : i32
          %get3A_381 = arith.index_cast %add3A_380 : i32 to index
          %get3A_382 = tpu.vector_load %arg15[%get3A_381] {strides = array<i32>} : memref<2048xf32, #tpu.memory_space<vmem>>, vector<16xf32>,
          %mul3A_383 = arith.mulf %select_n3A_373, %get3A_382 : vector<16xf32>
          %add3A_384 = arith.addf %get3A_375, %mul3A_383 : vector<16xf32>
          %swap3A = arith.index_cast %add3A_359 : i32 to index
          %swap3A_385 = tpu.vector_load %arg14[%swap3A] {strides = array<i32>} : memref<2048xf32, #tpu.memory_space<vmem>>, vector<16xf32>,
          tpu.vector_store %arg14[%swap3A], %add3A_384 {strides = array<i32>} : memref<2048xf32, #tpu.memory_space<vmem>>, vector<16xf32>,
        }
        %scan3A_353 = arith.constant 16 : i32
      }
      %scan3A_343 = arith.constant 8 : i32
    }
    %scan3A_30 = arith.constant 32 : i32
    %mul3A_31 = arith.constant 16512 : i32
    %mul3A_32 = arith.muli %arg0, %mul3A_31 : i32
    %scan3A_33 = arith.constant 0 : i32
    %scan3A_34 = arith.constant 8 : i32
    %scan3A_35 = arith.addi %scan3A_33, %scan3A_34 : i32
    %scan3A_36 = arith.constant 1 : i32
    scf.for %scan3A_38 = %scan3A_33 to %scan3A_35 step %scan3A_36  : i32 {
      %scan3A_39 = arith.constant 0 : i32
      %scan3A_40 = arith.constant 16 : i32
      %scan3A_41 = arith.addi %scan3A_39, %scan3A_40 : i32
      %scan3A_42 = arith.constant 1 : i32
      scf.for %scan3A_77 = %scan3A_39 to %scan3A_41 step %scan3A_42  : i32 {
        %jit3A_78 = arith.constant 8 : i32
        %eq3A_79 = arith.constant 0 : i32
        %eq3A_80 = arith.cmpi eq, %jit3A_78, %eq3A_79 : i32
        %jit3A_81 = arith.constant 1 : i32
        %select_n3A_82 = arith.select %eq3A_80, %jit3A_81, %jit3A_78 : i32
        %rem3A = arith.remsi %scan3A_77, %select_n3A_82 : i32
        %ne3A = arith.constant 0 : i32
        %ne3A_83 = arith.cmpi ne, %rem3A, %ne3A : i32
        %lt3A = arith.constant 0 : i32
        %lt3A_84 = arith.cmpi slt, %rem3A, %lt3A : i32
        %lt3A_85 = arith.constant 0 : i32
        %lt3A_86 = arith.cmpi slt, %select_n3A_82, %lt3A_85 : i32
        %ne3A_87 = arith.xori %lt3A_84, %lt3A_86 : i1
        %and3A = arith.andi %ne3A_87, %ne3A_83 : i1
        %add3A_88 = arith.addi %rem3A, %select_n3A_82 : i32
        %select_n3A_89 = arith.select %and3A, %add3A_88, %rem3A : i32
        %mul3A_90 = arith.constant 16 : i32
        %mul3A_91 = arith.muli %select_n3A_89, %mul3A_90 : i32
        %mul3A_92 = arith.constant 256 : i32
        %mul3A_93 = arith.muli %scan3A_38, %mul3A_92 : i32
        %mul3A_94 = arith.constant 16 : i32
        %mul3A_95 = arith.muli %scan3A_77, %mul3A_94 : i32
        %add3A_96 = arith.addi %mul3A_93, %mul3A_95 : i32
        %get3A = arith.index_cast %add3A_96 : i32 to index
        %get3A_97 = tpu.vector_load %arg13[%get3A] {strides = array<i32>} : memref<2048xi32, #tpu.memory_space<vmem>>, vector<16xi32>,
        %add3A_98 = vector.broadcast %mul3A_32 : i32 to vector<16xi32>
        %add3A_99 = arith.addi %get3A_97, %add3A_98 : vector<16xi32>
        %jit3A_100 = arith.constant 8 : i32
        %div3A = arith.divsi %scan3A_77, %jit3A_100 : i32
        %sign3A = arith.constant 0 : i32
        %sign3A_101 = arith.cmpi sgt, %scan3A_77, %sign3A : i32
        %sign3A_102 = arith.extui %sign3A_101 : i1 to i32
        %sign3A_103 = arith.constant 0 : i32
        %sign3A_104 = arith.cmpi slt, %scan3A_77, %sign3A_103 : i32
        %sign3A_105 = arith.extui %sign3A_104 : i1 to i32
        %sign3A_106 = arith.subi %sign3A_102, %sign3A_105 : i32
        %sign3A_107 = arith.constant 0 : i32
        %sign3A_108 = arith.cmpi sgt, %jit3A_100, %sign3A_107 : i32
        %sign3A_109 = arith.extui %sign3A_108 : i1 to i32
        %sign3A_110 = arith.constant 0 : i32
        %sign3A_111 = arith.cmpi slt, %jit3A_100, %sign3A_110 : i32
        %sign3A_112 = arith.extui %sign3A_111 : i1 to i32
        %sign3A_113 = arith.subi %sign3A_109, %sign3A_112 : i32
        %ne3A_114 = arith.cmpi ne, %sign3A_106, %sign3A_113 : i32
        %rem3A_115 = arith.remsi %scan3A_77, %jit3A_100 : i32
        %ne3A_116 = arith.constant 0 : i32
        %ne3A_117 = arith.cmpi ne, %rem3A_115, %ne3A_116 : i32
        %and3A_118 = arith.andi %ne3A_114, %ne3A_117 : i1
        %sub3A = arith.constant 1 : i32
        %sub3A_119 = arith.subi %div3A, %sub3A : i32
        %select_n3A_120 = arith.select %and3A_118, %sub3A_119, %div3A : i32
        %swap3A = arith.index_cast %select_n3A_120 : i32 to index
        %swap3A_121 = arith.index_cast %mul3A_91 : i32 to index
        %swap3A_122 = tpu.vector_load %arg17[%swap3A, %swap3A_121] {strides = array<i32>} : memref<2x128xi32, #tpu.memory_space<vmem>>, vector<16xi32>,
        tpu.vector_store %arg17[%swap3A, %swap3A_121], %add3A_99 {strides = array<i32>} : memref<2x128xi32, #tpu.memory_space<vmem>>, vector<16xi32>,
      }
      %scan3A_43 = arith.constant 16 : i32
      %mul3A_44 = arith.constant 256 : i32
      %mul3A_45 = arith.muli %scan3A_38, %mul3A_44 : i32
      %add3A = arith.constant 0 : i32
      %add3A_46 = arith.addi %mul3A_45, %add3A : i32
      %dma_start3A = arith.constant 0 : i32
      %dma_start3A_47 = tpu.memref_slice %arg14[%add3A_46] : memref<2048xf32, #tpu.memory_space<vmem>> -> memref<128xf32, #tpu.memory_space<vmem>>
      %dma_start3A_48 = arith.constant 0 : i32
      %dma_start3A_49 = tpu.memref_slice %arg17[%dma_start3A, %dma_start3A_48] : memref<2x128xi32, #tpu.memory_space<vmem>> -> memref<1x128xi32, #tpu.memory_space<vmem>>
      %dma_start3A_50 = tpu.memref_squeeze %dma_start3A_49 : memref<1x128xi32, #tpu.memory_space<vmem>> -> memref<128xi32, #tpu.memory_space<vmem>>
      %dma_start3A_51 = arith.constant 0 : i32
      %dma_start3A_52 = tpu.memref_slice %arg8[%dma_start3A_51] : memref<33024xf32, #tpu.memory_space<hbm>> -> memref<33024xf32, #tpu.memory_space<hbm>>
      tpu.enqueue_indirect_dma source(%dma_start3A_47 : memref<128xf32, #tpu.memory_space<vmem>>) target(%dma_start3A_52 : memref<33024xf32, #tpu.memory_space<hbm>>) offsets(%dma_start3A_50 : memref<128xi32, #tpu.memory_space<vmem>>) semaphore(%arg20 : memref<!tpu.dma_semaphore, #tpu.memory_space<semaphore_mem>>)
      %mul3A_53 = arith.constant 256 : i32
      %mul3A_54 = arith.muli %scan3A_38, %mul3A_53 : i32
      %add3A_55 = arith.constant 128 : i32
      %add3A_56 = arith.addi %mul3A_54, %add3A_55 : i32
      %dma_start3A_57 = arith.constant 1 : i32
      %dma_start3A_58 = tpu.memref_slice %arg14[%add3A_56] : memref<2048xf32, #tpu.memory_space<vmem>> -> memref<128xf32, #tpu.memory_space<vmem>>
      %dma_start3A_59 = arith.constant 0 : i32
      %dma_start3A_60 = tpu.memref_slice %arg17[%dma_start3A_57, %dma_start3A_59] : memref<2x128xi32, #tpu.memory_space<vmem>> -> memref<1x128xi32, #tpu.memory_space<vmem>>
      %dma_start3A_61 = tpu.memref_squeeze %dma_start3A_60 : memref<1x128xi32, #tpu.memory_space<vmem>> -> memref<128xi32, #tpu.memory_space<vmem>>
      %dma_start3A_62 = arith.constant 0 : i32
      %dma_start3A_63 = tpu.memref_slice %arg8[%dma_start3A_62] : memref<33024xf32, #tpu.memory_space<hbm>> -> memref<33024xf32, #tpu.memory_space<hbm>>
      tpu.enqueue_indirect_dma source(%dma_start3A_58 : memref<128xf32, #tpu.memory_space<vmem>>) target(%dma_start3A_63 : memref<33024xf32, #tpu.memory_space<hbm>>) offsets(%dma_start3A_61 : memref<128xi32, #tpu.memory_space<vmem>>) semaphore(%arg20 : memref<!tpu.dma_semaphore, #tpu.memory_space<semaphore_mem>>)
      %dma_wait3A = arith.constant 0 : i32
      %dma_wait3A_64 = tpu.memref_slice %arg14[%add3A_46] : memref<2048xf32, #tpu.memory_space<vmem>> -> memref<128xf32, #tpu.memory_space<vmem>>
      %dma_wait3A_65 = arith.constant 0 : i32
      %dma_wait3A_66 = tpu.memref_slice %arg17[%dma_wait3A, %dma_wait3A_65] : memref<2x128xi32, #tpu.memory_space<vmem>> -> memref<1x128xi32, #tpu.memory_space<vmem>>
      %dma_wait3A_67 = tpu.memref_squeeze %dma_wait3A_66 : memref<1x128xi32, #tpu.memory_space<vmem>> -> memref<128xi32, #tpu.memory_space<vmem>>
      %dma_wait3A_68 = arith.constant 0 : i32
      %dma_wait3A_69 = tpu.memref_slice %arg8[%dma_wait3A_68] : memref<33024xf32, #tpu.memory_space<hbm>> -> memref<33024xf32, #tpu.memory_space<hbm>>
      tpu.wait_indirect_dma semaphore(%arg20 : memref<!tpu.dma_semaphore, #tpu.memory_space<semaphore_mem>>) src(%dma_wait3A_64 : memref<128xf32, #tpu.memory_space<vmem>>) dst(%dma_wait3A_69 : memref<33024xf32, #tpu.memory_space<hbm>>)
      %dma_wait3A_70 = arith.constant 1 : i32
      %dma_wait3A_71 = tpu.memref_slice %arg14[%add3A_56] : memref<2048xf32, #tpu.memory_space<vmem>> -> memref<128xf32, #tpu.memory_space<vmem>>
      %dma_wait3A_72 = arith.constant 0 : i32
      %dma_wait3A_73 = tpu.memref_slice %arg17[%dma_wait3A_70, %dma_wait3A_72] : memref<2x128xi32, #tpu.memory_space<vmem>> -> memref<1x128xi32, #tpu.memory_space<vmem>>
      %dma_wait3A_74 = tpu.memref_squeeze %dma_wait3A_73 : memref<1x128xi32, #tpu.memory_space<vmem>> -> memref<128xi32, #tpu.memory_space<vmem>>
      %dma_wait3A_75 = arith.constant 0 : i32
      %dma_wait3A_76 = tpu.memref_slice %arg8[%dma_wait3A_75] : memref<33024xf32, #tpu.memory_space<hbm>> -> memref<33024xf32, #tpu.memory_space<hbm>>
      tpu.wait_indirect_dma semaphore(%arg20 : memref<!tpu.dma_semaphore, #tpu.memory_space<semaphore_mem>>) src(%dma_wait3A_71 : memref<128xf32, #tpu.memory_space<vmem>>) dst(%dma_wait3A_76 : memref<33024xf32, #tpu.memory_space<hbm>>)
    }
    %scan3A_37 = arith.constant 8 : i32
    return
  }
}

</mosaic_0001>

<sc_bundles>
// kernel: kernel.3.cloned.1.call-start
scs
__scs_entry_jumppad:
0x0: {  	(pc) =	sbr.rel $0x88, $3  }
0x1: {  	(tag) =	ssettag $0x0;
	lr =	simm.s32 $0x1  }
0x2: {  	[smem:$0x3F9A] =	sst lr;
	_ =	strace $0xD0000000  }
0x3: {  	_ = 	snop  }
0x4: {  	_ = 	snop  }
0x5: {  	_ = 	snop  }
0x6: {  	_ = 	snop  }
0x7: {  	_ = 	snop  }
__scs_overlays_trampoline_lowered:
0x8: {  	[smem:$0x3FA9] =	sst s0  }
0x9: {  	[smem:$0x3FAA] =	sst s1  }
0xa: {  	[smem:$0x3FAB] =	sst s2  }
0xb: {  	[smem:$0x3FAC] =	sst s3  }
0xc: {  	[smem:$0x3FAD] =	sst s4  }
0xd: {  	[smem:$0x3FAE] =	sst s5  }
0xe: {  	[smem:$0x3FAF] =	sst s6  }
0xf: {  	[smem:$0x3FB0] =	sst s7  }
0x10: {  	[smem:$0x3FB1] =	sst s8  }
0x11: {  	[smem:$0x3FB2] =	sst s9;
	s0 =	simm.s32 @!p0 $0x0  }
0x12: {  	s1 =	sld [smem:$0x3F98];
	s0 =	simm.s32 @p0 $0x1  }
0x13: {  	[smem:$0x3FB3] =	sst s0;
	s0 =	simm.s32 @!p1 $0x0  }
0x14: {  	s2 =	sld [smem:$0x3F97];
	s0 =	simm.s32 @p1 $0x1  }
0x15: {  	[smem:$0x3FB4] =	sst s0;
	s0 =	simm.s32 @!p2 $0x0  }
0x16: {  	s3 =	sld [smem:$0x3FDB];
	s0 =	simm.s32 @p2 $0x1  }
0x17: {  	s4 =	simm.s32 $0x1BF5;
	[smem:$0x3FB6] =	sst s0  }
0x18: {  	s0 =	sld [smem:$0x3F99];
	_ =	swait.ge [sflag:s4], $0x0  }
0x19: {  	s7 =	sld [smem:$0x3F9A]  }
0x1a: {  	s8 =	sadd.s32 $0xFFFFE003, lr  }
0x1b: {  	s9 =	sadd.s32 $0xFFFFFEF7, lr;
	s5 =	simm.s32 $0xFFFFFFFF;
	p2 =	slt.u32 s8, $0xFFFFF086  }
0x1c: {  	p1 =	slt.u32 s9, $0xF7A;
	s5 =	simm.s32 @!p2 $0x0  }
0x1d: {  	s5 =	simm.s32 @p1 $0x1;
	p0 =	seq.s32 s7, s2  }
0x1e: {  	s7 =	smul.u32 @!p0 $0xF7A, s2;
	p2 =	seq.s32 @!p0 s5, $0x0  }
0x1f: {  	s9 =	smul.u32 $0xF7A, s1;
	s8 =	simm.s32 @!p0 $0x1BF5;
	p2 =	por !p2, p0  }
0x20: {  	[sflag:s8] =	ssyncset.s32 @!p0 $0xFFFFF086;
	s6 =	sadd.s32 @!p0 s3, s7;
	s7 =	simm.s32 @!p0 $0x108  }
0x21: {  	s3 =	sadd.s32 s3, s9;
	s6 =	sadd.s32 @!p0 $0x88, s6;
	s7 =	simm.s32 @p2 $0x1082  }
0x22: {  	[simem:s7], [sflag:s8] =	dma.local @!p0 [hbm:s6], $0xF7A  }
0x23: {  	s9 =	sor.u32 $0xD0000000, s2;
	s6 =	simm.s32 $0x108;
	_ =	swait.ge @!p0 [sflag:s8], $0x0  }
0x24: {  	s3 =	sadd.s32 $0x88, s3;
	s6 =	simm.s32 @!p1 $0x1082;
	[sflag:s4] =	ssyncset.s32 $0xFFFFF086  }
0x25: {  	[simem:s6], [sflag:s4] =	dma.local [hbm:s3], $0xF7A  }
0x26: {  	[smem:$0x3F9A] =	sst s1;
	(tag) =	ssettag s2;
	_ =	strace s9  }
0x27: {  	s1 =	sld [smem:$0x3FAA]  }
0x28: {  	s2 =	sld [smem:$0x3FAB]  }
0x29: {  	s4 =	sld [smem:$0x3FAD]  }
0x2a: {  	p0 =	seq.s32 s5, $0x0;
	s5 =	sld [smem:$0x3FAE]  }
0x2b: {  	s6 =	sld [smem:$0x3FAF]  }
0x2c: {  	s7 =	sld [smem:$0x3FB0]  }
0x2d: {  	s3 =	simm.s32 $0x108;
	s8 =	sld [smem:$0x3FB1]  }
0x2e: {  	s3 =	simm.s32 @!p0 $0x1082;
	s9 =	sld [smem:$0x3FB2]  }
0x2f: {  	lr =	sadd.s32 s0, s3;
	s0 =	sld [smem:$0x3FA9]  }
0x30: {  	s3 =	sld [smem:$0x3FAC]  }
0x31: {  	[smem:$0x3FB5] =	sst s10  }
0x32: {  	s10 =	sld [smem:$0x3FB3];
	_ =	sdelay $0x3  }
0x33: {  	p0 =	seq.s32 s10, $0x1;
	s10 =	sld [smem:$0x3FB5];
	_ =	sdelay $0x3  }
0x34: {  	[smem:$0x3FB5] =	sst s10  }
0x35: {  	s10 =	sld [smem:$0x3FB4];
	_ =	sdelay $0x3  }
0x36: {  	p1 =	seq.s32 s10, $0x1;
	s10 =	sld [smem:$0x3FB5];
	_ =	sdelay $0x3  }
0x37: {  	[smem:$0x3FB5] =	sst s10  }
0x38: {  	s10 =	sld [smem:$0x3FB6]  }
0x39: {  	_ = 	snop;
	(pc) =	sbr.ind lr, $3  }
0x3a: {  	_ = 	snop  }
0x3b: {  	_ = 	snop  }
0x3c: {  	p2 =	seq.s32 s10, $0x1;
	s10 =	sld [smem:$0x3FB5]  }
0x3d: {  	_ =	shalt  }
0x3e: {  	_ =	shalt  }
0x3f: {  	_ =	shalt  }
0x40: {  	_ =	shalt  }
0x41: {  	_ =	shalt  }
0x42: {  	_ =	shalt  }
0x43: {  	_ =	shalt  }
0x44: {  	_ =	shalt  }
0x45: {  	_ =	shalt  }
0x46: {  	_ =	shalt  }
0x47: {  	_ =	shalt  }
0x48: {  	_ =	shalt  }
0x49: {  	_ =	shalt  }
0x4a: {  	_ =	shalt  }
0x4b: {  	_ =	shalt  }
0x4c: {  	_ =	shalt  }
0x4d: {  	_ =	shalt  }
0x4e: {  	_ =	shalt  }
0x4f: {  	_ =	shalt  }
0x50: {  	_ =	shalt  }
0x51: {  	_ =	shalt  }
0x52: {  	_ =	shalt  }
0x53: {  	_ =	shalt  }
0x54: {  	_ =	shalt  }
0x55: {  	_ =	shalt  }
0x56: {  	_ =	shalt  }
0x57: {  	_ =	shalt  }
0x58: {  	_ =	shalt  }
0x59: {  	_ =	shalt  }
0x5a: {  	_ =	shalt  }
0x5b: {  	_ =	shalt  }
0x5c: {  	_ =	shalt  }
0x5d: {  	_ =	shalt  }
0x5e: {  	_ =	shalt  }
0x5f: {  	_ =	shalt  }
0x60: {  	_ =	shalt  }
0x61: {  	_ =	shalt  }
0x62: {  	_ =	shalt  }
0x63: {  	_ =	shalt  }
0x64: {  	_ =	shalt  }
0x65: {  	_ =	shalt  }
0x66: {  	_ =	shalt  }
0x67: {  	_ =	shalt  }
0x68: {  	_ =	shalt  }
0x69: {  	_ =	shalt  }
0x6a: {  	_ =	shalt  }
0x6b: {  	_ =	shalt  }
0x6c: {  	_ =	shalt  }
0x6d: {  	_ =	shalt  }
0x6e: {  	_ =	shalt  }
0x6f: {  	_ =	shalt  }
0x70: {  	_ =	shalt  }
0x71: {  	_ =	shalt  }
0x72: {  	_ =	shalt  }
0x73: {  	_ =	shalt  }
0x74: {  	_ =	shalt  }
0x75: {  	_ =	shalt  }
0x76: {  	_ =	shalt  }
0x77: {  	_ =	shalt  }
0x78: {  	_ =	shalt  }
0x79: {  	_ =	shalt  }
0x7a: {  	_ =	shalt  }
0x7b: {  	_ =	shalt  }
0x7c: {  	_ =	shalt  }
0x7d: {  	_ =	shalt  }
0x7e: {  	_ =	shalt  }
0x7f: {  	_ =	shalt  }
0x80: {  	_ =	shalt  }
0x81: {  	_ =	shalt  }
0x82: {  	_ =	shalt  }
0x83: {  	_ =	shalt  }
0x84: {  	_ =	shalt  }
0x85: {  	_ =	shalt  }
0x86: {  	_ =	shalt  }
0x87: {  	_ =	shalt  }
.Lfunc_end0:
.L_simem_size_0:
called_computation_lowered:
.L_overlay_start_0:
0x88: {  	s2 =	sld [smem:$0x3FD9]  }
0x89: {  	s3 =	sld [smem:$0x3FFE];
	_ =	sdelay $0x1  }
0x8a: {  	s1 =	srdreg.scid  }
0x8b: {  	s0 =	sand.u32 $0x1, s1  }
0x8c: {  	s17 =	sshll.u32 s0, $0xA;
	s2 =	sadd.s32 s3, s2  }
0x8d: {  	s2 =	sadd.s32 s2, s17  }
0x8e: {  	[smem:$0x3FC1] =	sst s2  }
0x8f: {  	_ = 	snop  }
0x90: {  	s2 =	sld [smem:$0x3FC9]  }
0x91: {  	s18 =	sld [smem:$0x3FC8]  }
0x92: {  	s4 =	sld [smem:$0x3FC7]  }
0x93: {  	s5 =	sld [smem:$0x3FD0];
	(tm) =	ssettm $0x1  }
0x94: {  	s6 =	sld [smem:$0x3FFB];
	_ =	sdelay $0x3  }
0x95: {  	_ =	strace s6  }
0x96: {  	s6 =	sld [smem:$0x3FFC];
	_ =	sdelay $0x3  }
0x97: {  	_ =	strace s6  }
0x98: {  	s6 =	sld [smem:$0x3FFD];
	_ =	sdelay $0x3  }
0x99: {  	_ =	strace s6  }
0x9a: {  	_ =	strace $0x8FFFFFFF  }
0x9b: {  	s19 =	sld [smem:$0x3FDB];
	_ =	sdelay $0x1  }
0x9c: {  	s7 =	simm.s32 $_scs_section_size  }
0x9d: {  	s8 =	simm.s32 $_size__tile_overlayer_lowered;
	s9 =	simm.s32 $_tile_overlayer_lowered  }
0x9e: {  	s22 =	simm.s32 $0x1BFF;
	s21 =	sshll.u32 s9, $0x1;
	s6 =	sadd.s32 s7, s19  }
0x9f: {  	s10 =	simm.s32 $0x0;
	s20 =	sshll.u32 s8, $0x1;
	s8 =	sadd.s32 s21, s6  }
0xa0: {  	[timem:s10], [sflag:s22] =	dma.local [hbm:s8], s20  }
0xa1: {  	_ =	swait.ge [sflag:s22], s20  }
0xa2: {  	s7 =	ssub.s32 $0x0, s20;
	[sflag:s22] =	ssyncset.done $0x0  }
0xa3: {  	[sflag:s22] =	ssyncadd.s32 s7;
	_ =	sdelay $0x1  }
0xa4: {  	s23 =	simm.s32 $0x1B8B  }
0xa5: {  	_ =	swait.ge [sflag:s23], $0x1  }
0xa6: {  	[sflag:s23] =	ssyncset.done $0x0  }
0xa7: {  	s25 =	simm.s32 $0x1B8E;
	s24 =	sld [smem:$0x3FFE];
	[sflag:s23] =	ssyncadd.s32 $0xFFFFFFFF  }
0xa8: {  	s26 =	simm.s32 $execute0_lowered;
	[smem:$0x3FD2] =	sst s25  }
0xa9: {  	s8 =	sshll.u32 s26, $0x1;
	_ =	strace $0x80000046;
	[dreg:$0x1] =	wrdreg $0xFFFFFFFF  }
0xaa: {  	s28 =	simm.s32 $_size_execute0_lowered;
	s6 =	sadd.s32 s6, s8;
	[dreg:$0x0] =	wrdreg $0x0  }
0xab: {  	s8 =	sshll.u32 s28, $0x1;
	[dreg:$0x2] =	wrdreg s6  }
0xac: {  	[dreg:$0x3] =	wrdreg s8  }
0xad: {  	[dreg:$0x4] =	wrdreg $0xC0  }
0xae: {  	_ =	task [dreg:s10], $0x5FFFF  }
0xaf: {  	[dreg:$0x1] =	wrdreg $0xFFFFFFFF  }
0xb0: {  	[dreg:$0x0] =	wrdreg $0x60  }
0xb1: {  	[dreg:$0x2] =	wrdreg s2  }
0xb2: {  	[dreg:$0x3] =	wrdreg s18  }
0xb3: {  	[dreg:$0x4] =	wrdreg s4  }
0xb4: {  	[dreg:$0x5] =	wrdreg s24  }
0xb5: {  	[dreg:$0x6] =	wrdreg s5  }
0xb6: {  	[dreg:$0x7] =	wrdreg $0x9  }
0xb7: {  	_ =	task.clear_ibuf [dreg:s10], $0x8FFFF;
	_ =	strace $0x90000046  }
0xb8: {  	s29 =	simm.s32 $0x9;
	_ =	strace $0x80000048  }
0xb9: {  	_ =	swait.ge [sflag:s29], $0x1  }
0xba: {  	[sflag:s29] =	ssyncadd.s32 $0xFFFFFFFF  }
0xbb: {  	_ =	strace $0x90000048  }
0xbc: {  	_ =	sfence  }
0xbd: {  	s30 =	sld [smem:$0x0];
	_ =	sdelay $0x2  }
0xbe: {  	s31 =	sshll.u32 s1, $0xD;
	s1 =	sshrl.u32 s1, $0x2  }
0xbf: {  	s3 =	sand.u32 $0x4000, s31;
	s1 =	sadd.s32 s1, s30  }
0xc0: {  	s0 =	sor.u32 s3, s0;
	s1 =	sshll.u32 s1, $0x11  }
0xc1: {  	s0 =	sor.u32 s1, s0  }
0xc2: {  	s0 =	sadd.s32 $0x8F2B, s0  }
0xc3: {  	[sflag:s0] =	ssyncadd.remote.s32 $0x1  }
0xc4: {  	_ =	sfence.sel $0xFFFF  }
0xc5: {  	[dreg:$0x0] =	wrdreg $0xFFFFFFFF;
	(pc) =	sbr.abs _section_cstart, $3  }
0xc6: {  	[dreg:$0x1] =	wrdreg $0xFFFFFFFF  }
0xc7: {  	_ =	task.clear_ibuf [dreg:s10], $0x2FFFF;
	_ =	strace $0x9FFFFFFF  }
0xc8: {  	(tm) =	ssettm $0x7FFFFFFF  }
0xc9: {  	_ =	shalt  }
tec
execute0_lowered:
.L_overlay_start_1:
0x0: {  	(tag) =	ssettag $0x1  }
0x1: {  	s0 =	rddreg [dreg:$0x3];
	s2 =	simm.s32 $0x0  }
0x2: {  	s1 =	srdreg.scid;
	s4 =	stileid.u32;
	s13 =	simm.s32 $0x14100  }
0x3: {  	s14 =	simm.s32 $0x2;
	s16 =	simm.s32 $0x80;
	s17 =	simm.s32 $0x4000  }
0x4: {  	s18 =	simm.s32 $0x4080;
	s19 =	simm.s32 $0x1;
	s20 =	simm.s32 $0x3080  }
0x5: {  	s6 =	simm.s32 $0x3780;
	[smem:$0x7FF] =	sst s2;
	s1 =	sand.u32 $0x1, s1  }
0x6: {  	s7 =	sadd.s32 $0x200, s0;
	s8 =	sadd.s32 $0xC6A00, s0;
	s9 =	sadd.s32 $0xE5400, s0  }
0x7: {  	s2 =	simm.f32 $1.000000000e+00;
	s11 =	sshll.u32 s4, $0xD;
	s30 =	ssub.s32 $0x2, s1  }
0x8: {  	v3 =	vmov s4;
	s4 =	simm.s32 $0x4100;
	s10 =	sshll.u32 s1, $0x5;
	s3 =	sshrl.u32 s30, $0x1  }
0x9: {  	p0 =	seq.s32 s1, $0x0;
	s1 =	smul.u32 $0x4080, s1;
	s31 =	ssub.s32 s30, s3  }
0xa: {  	v4 =	vimm.s32 $0x0;
	v5 =	vimm.s32 $0x4000;
	v6 =	vlaneseq.u32;
	_ =	strace $0x80000047;
	s2 =	simm.s32 @!p0 $0x0;
	s0 =	smax.u32 s31, $0x1  }
0xb: {  	v2 =	vmov s11;
	v0 =	vmov s2;
	v1 =	vmov s1;
	s2 =	simm.s32 $0x0;
	[dreg:$0x6] =	wrdreg s0;
	s0 =	simm.s32 $0x3F80  }
.LBB2_1:
0xc: {  	[dreg:$0x7] =	wrdreg s2  }
0xd: {  	s1 =	rddreg [dreg:$0x4];
	s31 =	simm.s32 $0x0  }
0xe: {  	[tilespmem:s13], [sflag:$0x2] =	stream.linear.gather [hbm4b:s1+s31], $0x1000, $0x38;
	[tilespmem:$0x15100] =	vst v63  }
0xf: {  	_ =	swait.ge [sflag:s14], $0x1000  }
0x10: {  	[sflag:s14] =	ssyncset.done $0x0  }
0x11: {  	s2 =	simm.s32 $0x40;
	s1 =	simm.s32 $0x0;
	[sflag:s14] =	ssyncadd.s32 $0xFFFFF000  }
.LBB2_2:
0x12: {  	p0 =	sne.s32 s2, $0x1FC0;
	[tilespmem:s1+$0x2000] =	vst v5;
	s3 =	smov.u32 s2;
	s2 =	sadd.s32 $0x40, s2  }
.Ltmp0:
0x13: {  	[tilespmem:s1+$0x1000] =	vst v4;
	(pc) =	sbr.rel @p0 .LBB2_2-.Ltmp0, $2  }
0x14: {  	[tilespmem:s1+$0x1800] =	vst v4;
	_ =	sdelay $0x2  }
0x15: {  	s1 =	sshra.s32 s3, $0x2  }
0x16: {  	s5 =	simm.s32 $0x0;
	s26 =	simm.s32 $0x0  }
0x17: {  	[tilespmem:s1+$0x2000] =	vst v5;
	s23 =	simm.s32 $0x0;
	s2 =	simm.s32 $0x0;
	s21 =	simm.s32 $0x0  }
0x18: {  	[tilespmem:s1+$0x1000] =	vst v4;
	s15 =	simm.s32 $0x0;
	s22 =	simm.s32 $0x0;
	s3 =	simm.s32 $0x0  }
0x19: {  	[tilespmem:s1+$0x1800] =	vst v4;
	s24 =	simm.s32 $0x0;
	s25 =	simm.s32 $0x0;
	s1 =	simm.s32 $0x0  }
.LBB2_4:
0x1a: {  	s12 =	sshll.u32 s1, $0x8;
	s28 =	rddreg [dreg:$0x0]  }
0x1b: {  	s28 =	sadd.s32 s28, s12  }
0x1c: {  	[tilespmem:s5], [sflag:$0x2] =	stream.linear.gather [hbm4b:s28+s5], $0x800, $0x38;
	[tilespmem:$0x15100] =	vst v63  }
0x1d: {  	_ =	swait.ge [sflag:s14], $0x800  }
0x1e: {  	[sflag:s14] =	ssyncset.done $0x0  }
0x1f: {  	[sflag:s14] =	ssyncadd.s32 $0xFFFFF800  }
0x20: {  	s28 =	rddreg [dreg:$0x1]  }
0x21: {  	s12 =	sadd.s32 s28, s12;
	s28 =	simm.s32 $0x800  }
0x22: {  	[tilespmem:s28], [sflag:$0x2] =	stream.linear.gather [hbm4b:s12+s5], $0x800, $0x38;
	[tilespmem:$0x15100] =	vst v63  }
0x23: {  	_ =	swait.ge [sflag:s14], $0x800  }
0x24: {  	[sflag:s14] =	ssyncset.done $0x0  }
0x25: {  	s31 =	simm.s32 $0x0;
	[sflag:s14] =	ssyncadd.s32 $0xFFFFF800  }
0x26: {  	v7 =	vld [tilespmem:s31+$0x0];
	_ =	sdelay $0x4  }
0x27: {  	v9 =	vand.u32 $0xFFFE0000, v7  }
0x28: {  	v8 =	vld [tilespmem:s31+$0x800];
	v10 =	vshrl.u32 v7, $0xD;
	v11 =	vshrl.u32 v7, $0x11;
	v9 =	vor.u32 v2, v9  }
0x29: {  	v10 =	vand.u32 $0xF, v10;
	vm1 =	veq.s32 v11, $0x0;
	vm0 =	vlt.s32 v9, $0xF2200  }
0x2a: {  	vm2 =	veq.s32 v11, $0x1;
	vm3 =	veq.s32 v10, v3;
	v9 =	vnsel vm0, $0xF2200, v9  }
0x2b: {  	vm4 =	veq.s32 v11, $0x3;
	vm1 =	vmand vm1, vm3;
	v9 =	vsub.s32 v7, v9  }
0x2c: {  	vm5 =	veq.s32 v11, $0x4;
	vm0 =	veq.s32 v11, $0x7;
	v10 =	vmpcnt.ones.xlane vm1;
	[tilespmem:s25+$0x1000] =	vst.msk vm1, v9  }
0x2d: {  	vm6 =	veq.s32 v11, $0x5;
	v7 =	vor.u32 s26, v6;
	vm0 =	vmand vm0, vm3;
	[tilespmem:s25+$0x1800] =	vst.msk vm1, v8  }
0x2e: {  	vm2 =	vmand vm2, vm3;
	v12 =	vmpcnt.ones.xlane vm0;
	v10 =	vxor.u32 $0x80000000, v10;
	[tilespmem:s25+$0x2000] =	vst.msk vm1, v7  }
0x2f: {  	v13 =	vmpcnt.ones.xlane vm2;
	(xrf0) =	vmax.scan.msk.u32 $0xffff, v10;
	vm1 =	veq.s32 v11, $0x2;
	[tilespmem:s24+$0x1100] =	vst.msk vm2, v9  }
0x30: {  	v12 =	vxor.u32 $0x80000000, v12;
	vm7 =	vmand vm1, vm3;
	vm1 =	veq.s32 v11, $0x6;
	[tilespmem:s24+$0x1900] =	vst.msk vm2, v8  }
0x31: {  	v10 =	vxor.u32 $0x80000000, v13;
	(xrf0) =	vmax.scan.msk.u32 $0xffff, v12;
	vm1 =	vmand vm1, vm3;
	[tilespmem:s24+$0x2100] =	vst.msk vm2, v7  }
0x32: {  	v11 =	vmpcnt.ones.xlane vm7;
	(xrf0) =	vmax.scan.msk.u32 $0xffff, v10;
	v10 =	vmpcnt.ones.xlane vm1;
	[tilespmem:s3+$0x1200] =	vst.msk vm7, v9  }
0x33: {  	vm4 =	vmand vm4, vm3;
	vm2 =	vmand vm6, vm3;
	vm3 =	vmand vm5, vm3;
	[tilespmem:s3+$0x1A00] =	vst.msk vm7, v8  }
0x34: {  	v11 =	vxor.u32 $0x80000000, v11;
	v61 =	vmpcnt.ones.xlane vm2;
	v10 =	vxor.u32 $0x80000000, v10;
	[tilespmem:s3+$0x2200] =	vst.msk vm7, v7  }
0x35: {  	v62 =	vmpcnt.ones.xlane vm4;
	(xrf0) =	vmax.scan.msk.u32 $0xffff, v11;
	v11 =	vmpcnt.ones.xlane vm3;
	v14, _, _ =	vpop (xrf0);
	[tilespmem:s22+$0x1300] =	vst.msk vm4, v9  }
0x36: {  	v12 =	vxor.u32 $0x80000000, v61;
	(xrf0) =	vmax.scan.msk.u32 $0xffff, v10;
	(v2sf) =	vpush v14, $0xF;
	[tilespmem:s22+$0x1B00] =	vst.msk vm4, v8  }
0x37: {  	v13 =	vxor.u32 $0x80000000, v62;
	(xrf0) =	vmax.scan.msk.u32 $0xffff, v12;
	v10, _, _ =	vpop (xrf0);
	[tilespmem:s22+$0x2300] =	vst.msk vm4, v7  }
0x38: {  	v11 =	vxor.u32 $0x80000000, v11;
	(xrf0) =	vmax.scan.msk.u32 $0xffff, v13;
	v63, _, _ =	vpop (xrf0);
	(v2sf) =	vpush v10, $0xF;
	[tilespmem:s15+$0x1400] =	vst.msk vm3, v9  }
0x39: {  	s29 =	simm.s32 $0x10;
	s28 =	simm.s32 $0x80;
	s12 =	smov.u32 s26;
	(xrf0) =	vmax.scan.msk.u32 $0xffff, v11;
	(v2sf) =	vpush v63, $0xF;
	[tilespmem:s15+$0x1C00] =	vst.msk vm3, v8  }
.LBB2_5:
0x3a: {  	p0 =	sne.s32 s28, $0x1FC0  }
0x3b: {  	[tilespmem:s15+$0x2400] =	vst.msk vm3, v7;
	s12 =	sadd.s32 $0x10, s12;
	v10, _, _ =	vpop (xrf0);
	s30 =	smov.u32 s28;
	s28 =	sadd.s32 $0x40, s28  }
0x3c: {  	[tilespmem:s21+$0x1500] =	vst.msk vm2, v9;
	(v2sf) =	vpush v10, $0xF;
	v10, _, _ =	vpop (xrf0)  }
0x3d: {  	[tilespmem:s21+$0x1D00] =	vst.msk vm2, v8;
	v11, _, _ =	vpop (xrf0);
	(v2sf) =	vpush v10, $0xF  }
0x3e: {  	[tilespmem:s21+$0x2500] =	vst.msk vm2, v7;
	v10, _, _ =	vpop (xrf0);
	(v2sf) =	vpush v11, $0xF  }
0x3f: {  	[tilespmem:s2+$0x1600] =	vst.msk vm1, v9;
	(v2sf) =	vpush v10, $0xF;
	v10, _, _ =	vpop (xrf0)  }
0x40: {  	[tilespmem:s2+$0x1E00] =	vst.msk vm1, v8;
	(v2sf) =	vpush v10, $0xF  }
0x41: {  	[tilespmem:s2+$0x2600] =	vst.msk vm1, v7  }
0x42: {  	[tilespmem:s23+$0x1700] =	vst.msk vm0, v9  }
0x43: {  	[tilespmem:s23+$0x1F00] =	vst.msk vm0, v8  }
0x44: {  	[tilespmem:s23+$0x2700] =	vst.msk vm0, v7  }
0x45: {  	v9 =	vld [tilespmem:s29+$0x0];
	s31 =	spop (v2sf)  }
0x46: {  	s25 =	sadd.s32 s31, s25  }
0x47: {  	s25 =	sadd.s32 $0x80000000, s25;
	s31 =	spop (v2sf)  }
0x48: {  	p1 =	slt.s32 s25, $0xF0;
	s23 =	sadd.s32 s31, s23;
	s31 =	spop (v2sf)  }
0x49: {  	v7 =	vor.u32 s12, v6;
	s25 =	simm.s32 @!p1 $0xF0;
	s24 =	sadd.s32 s31, s24;
	s23 =	sadd.s32 $0x80000000, s23  }
0x4a: {  	v10 =	vshrl.u32 v9, $0x11;
	v11 =	vshrl.u32 v9, $0xD;
	v12 =	vand.u32 $0xFFFE0000, v9;
	s24 =	sadd.s32 $0x80000000, s24;
	p1 =	slt.s32 s23, $0xF0  }
0x4b: {  	v8 =	vld [tilespmem:s29+$0x800];
	v11 =	vand.u32 $0xF, v11;
	v12 =	vor.u32 v2, v12;
	vm0 =	veq.s32 v10, $0x7;
	p2 =	slt.s32 s24, $0xF0;
	s23 =	simm.s32 @!p1 $0xF0;
	s29 =	spop (v2sf)  }
0x4c: {  	vm2 =	veq.s32 v10, $0x0;
	vm1 =	vlt.s32 v12, $0xF2200;
	vm3 =	veq.s32 v11, v3;
	s24 =	simm.s32 @!p2 $0xF0;
	s3 =	sadd.s32 s29, s3;
	s29 =	spop (v2sf)  }
0x4d: {  	v11 =	vnsel vm1, $0xF2200, v12;
	vm1 =	vmand vm2, vm3;
	vm0 =	vmand vm0, vm3;
	s3 =	sadd.s32 $0x80000000, s3;
	s2 =	sadd.s32 s29, s2;
	s29 =	spop (v2sf)  }
0x4e: {  	v9 =	vsub.s32 v9, v11;
	v11 =	vmpcnt.ones.xlane vm1;
	v12 =	vmpcnt.ones.xlane vm0;
	s21 =	sadd.s32 s29, s21;
	s2 =	sadd.s32 $0x80000000, s2;
	s29 =	spop (v2sf)  }
0x4f: {  	vm4 =	veq.s32 v10, $0x3;
	vm5 =	veq.s32 v10, $0x4;
	vm2 =	veq.s32 v10, $0x1;
	[tilespmem:s25+$0x1000] =	vst.msk vm1, v9;
	s22 =	sadd.s32 s29, s22;
	s21 =	sadd.s32 $0x80000000, s21;
	s29 =	spop (v2sf)  }
0x50: {  	vm6 =	vmand vm2, vm3;
	p1 =	slt.s32 s3, $0xF0;
	[tilespmem:s25+$0x1800] =	vst.msk vm1, v8;
	v11 =	vxor.u32 $0x80000000, v11;
	v12 =	vxor.u32 $0x80000000, v12;
	s22 =	sadd.s32 $0x80000000, s22;
	s15 =	sadd.s32 s29, s15  }
0x51: {  	v13 =	vmpcnt.ones.xlane vm6;
	p3 =	slt.s32 s2, $0xF0;
	[tilespmem:s25+$0x2000] =	vst.msk vm1, v7;
	vm1 =	veq.s32 v10, $0x5;
	(xrf0) =	vmax.scan.msk.u32 $0xffff, v11;
	p2 =	slt.s32 s22, $0xF0;
	s15 =	sadd.s32 $0x80000000, s15  }
0x52: {  	vm7 =	veq.s32 v10, $0x2;
	s2 =	simm.s32 @!p3 $0xF0;
	[tilespmem:s24+$0x1100] =	vst.msk vm6, v9;
	vm2 =	vmand vm1, vm3;
	(xrf0) =	vmax.scan.msk.u32 $0xffff, v12;
	s22 =	simm.s32 @!p2 $0xF0;
	p2 =	slt.s32 s15, $0xF0  }
0x53: {  	vm7 =	vmand vm7, vm3;
	s3 =	simm.s32 @!p1 $0xF0;
	p1 =	slt.s32 s21, $0xF0;
	v11 =	vxor.u32 $0x80000000, v13;
	vm1 =	veq.s32 v10, $0x6;
	[tilespmem:s24+$0x1900] =	vst.msk vm6, v8;
	s15 =	simm.s32 @!p2 $0xF0  }
0x54: {  	s21 =	simm.s32 @!p1 $0xF0;
	v10 =	vmpcnt.ones.xlane vm7;
	vm1 =	vmand vm1, vm3;
	[tilespmem:s24+$0x2100] =	vst.msk vm6, v7;
	(xrf0) =	vmax.scan.msk.u32 $0xffff, v11  }
0x55: {  	vm4 =	vmand vm4, vm3;
	vm3 =	vmand vm5, vm3;
	v18 =	vmpcnt.ones.xlane vm1;
	[tilespmem:s3+$0x1200] =	vst.msk vm7, v9  }
0x56: {  	v12 =	vmpcnt.ones.xlane vm4;
	v13 =	vmpcnt.ones.xlane vm2;
	v10 =	vxor.u32 $0x80000000, v10;
	[tilespmem:s3+$0x1A00] =	vst.msk vm7, v8  }
0x57: {  	v14 =	vmpcnt.ones.xlane vm3;
	v16 =	vxor.u32 $0x80000000, v18;
	[tilespmem:s3+$0x2200] =	vst.msk vm7, v7;
	v15, _, _ =	vpop (xrf0);
	(xrf0) =	vmax.scan.msk.u32 $0xffff, v10  }
.Ltmp1:
0x58: {  	s29 =	sshra.s32 s30, $0x2;
	v17 =	vxor.u32 $0x80000000, v13;
	[tilespmem:s22+$0x1300] =	vst.msk vm4, v9;
	(v2sf) =	vpush v15, $0xF;
	(xrf0) =	vmax.scan.msk.u32 $0xffff, v16;
	v11, _, _ =	vpop (xrf0);
	(pc) =	sbr.rel @p0 .LBB2_5-.Ltmp1, $4  }
0x59: {  	v12 =	vxor.u32 $0x80000000, v12;
	v13 =	vxor.u32 $0x80000000, v14;
	[tilespmem:s22+$0x1B00] =	vst.msk vm4, v8;
	(xrf0) =	vmax.scan.msk.u32 $0xffff, v17  }
0x5a: {  	[tilespmem:s22+$0x2300] =	vst.msk vm4, v7;
	v10, _, _ =	vpop (xrf0);
	(xrf0) =	vmax.scan.msk.u32 $0xffff, v12;
	(v2sf) =	vpush v11, $0xF  }
0x5b: {  	[tilespmem:s15+$0x1400] =	vst.msk vm3, v9;
	(v2sf) =	vpush v10, $0xF;
	(xrf0) =	vmax.scan.msk.u32 $0xffff, v13  }
0x5c: {  	[tilespmem:s15+$0x1C00] =	vst.msk vm3, v8  }
0x5d: {  	[tilespmem:s15+$0x2400] =	vst.msk vm3, v7  }
0x5e: {  	[tilespmem:s21+$0x1500] =	vst.msk vm2, v9  }
0x5f: {  	[tilespmem:s21+$0x1D00] =	vst.msk vm2, v8  }
0x60: {  	[tilespmem:s21+$0x2500] =	vst.msk vm2, v7  }
0x61: {  	[tilespmem:s2+$0x1600] =	vst.msk vm1, v9  }
0x62: {  	[tilespmem:s2+$0x1E00] =	vst.msk vm1, v8  }
0x63: {  	[tilespmem:s2+$0x2600] =	vst.msk vm1, v7  }
0x64: {  	[tilespmem:s23+$0x1700] =	vst.msk vm0, v9  }
0x65: {  	[tilespmem:s23+$0x1F00] =	vst.msk vm0, v8  }
0x66: {  	[tilespmem:s23+$0x2700] =	vst.msk vm0, v7  }
0x67: {  	v7 =	vld [tilespmem:s29+$0x0];
	_ =	sdelay $0x4  }
0x68: {  	v8, _, _ =	vpop (xrf0);
	v50 =	vshrl.u32 v7, $0xD  }
0x69: {  	(v2sf) =	vpush v8, $0xF;
	v8, _, _ =	vpop (xrf0);
	v10 =	vshrl.u32 v7, $0x11;
	v9 =	vand.u32 $0xF, v50  }
0x6a: {  	v11, _, _ =	vpop (xrf0);
	(v2sf) =	vpush v8, $0xF;
	vm9 =	veq.s32 v10, $0x0;
	vm15 =	veq.s32 v9, v3  }
0x6b: {  	(v2sf) =	vpush v11, $0xF;
	vm10 =	veq.s32 v10, $0x7;
	vm7 =	vmand vm9, vm15  }
0x6c: {  	v8, _, _ =	vpop (xrf0);
	vm11 =	veq.s32 v10, $0x1;
	vm0 =	vmand vm10, vm15;
	v51 =	vmpcnt.ones.xlane vm7  }
0x6d: {  	(v2sf) =	vpush v8, $0xF;
	v8, _, _ =	vpop (xrf0);
	vm6 =	vmand vm11, vm15;
	v52 =	vmpcnt.ones.xlane vm0  }
0x6e: {  	(v2sf) =	vpush v8, $0xF;
	v53 =	vmpcnt.ones.xlane vm6;
	v8 =	vxor.u32 $0x80000000, v51  }
0x6f: {  	vm13 =	veq.s32 v10, $0x6;
	v11 =	vxor.u32 $0x80000000, v52;
	(xrf0) =	vmax.scan.msk.u32 $0xffff, v8  }
0x70: {  	vm12 =	veq.s32 v10, $0x2;
	vm1 =	vmand vm13, vm15;
	v8 =	vxor.u32 $0x80000000, v53;
	(xrf0) =	vmax.scan.msk.u32 $0xffff, v11  }
0x71: {  	vm5 =	vmand vm12, vm15;
	(xrf0) =	vmax.scan.msk.u32 $0xffff, v8;
	v8 =	vmpcnt.ones.xlane vm1  }
0x72: {  	vm4 =	veq.s32 v10, $0x3;
	vm14 =	veq.s32 v10, $0x5;
	v54 =	vmpcnt.ones.xlane vm5  }
0x73: {  	vm8 =	veq.s32 v10, $0x4;
	vm2 =	vmand vm14, vm15;
	v8 =	vxor.u32 $0x80000000, v8  }
0x74: {  	vm4 =	vmand vm4, vm15;
	v55 =	vmpcnt.ones.xlane vm2;
	v9 =	vxor.u32 $0x80000000, v54  }
0x75: {  	vm3 =	vmand vm8, vm15;
	v56 =	vmpcnt.ones.xlane vm4;
	(xrf0) =	vmax.scan.msk.u32 $0xffff, v9;
	v12, _, _ =	vpop (xrf0)  }
0x76: {  	v57 =	vmpcnt.ones.xlane vm3;
	v10 =	vxor.u32 $0x80000000, v55;
	(xrf0) =	vmax.scan.msk.u32 $0xffff, v8;
	(v2sf) =	vpush v12, $0xF;
	v8, _, _ =	vpop (xrf0)  }
0x77: {  	s28 =	spop (v2sf);
	v11 =	vxor.u32 $0x80000000, v56;
	(xrf0) =	vmax.scan.msk.u32 $0xffff, v10;
	(v2sf) =	vpush v8, $0xF;
	v8 =	vand.u32 $0xFFFE0000, v7  }
0x78: {  	v9 =	vxor.u32 $0x80000000, v57;
	(xrf0) =	vmax.scan.msk.u32 $0xffff, v11;
	v8 =	vor.u32 v2, v8  }
0x79: {  	v58, _, _ =	vpop (xrf0);
	(xrf0) =	vmax.scan.msk.u32 $0xffff, v9;
	vm15 =	vlt.s32 v8, $0xF2200  }
0x7a: {  	v8 =	vnsel vm15, $0xF2200, v8  }
0x7b: {  	s25 =	sadd.s32 s28, s25;
	s28 =	spop (v2sf);
	(v2sf) =	vpush v58, $0xF;
	v60, _, _ =	vpop (xrf0)  }
0x7c: {  	s31 =	spop (v2sf);
	(v2sf) =	vpush v60, $0xF;
	v61, _, _ =	vpop (xrf0)  }
0x7d: {  	s30 =	sadd.s32 $0x10, s12;
	v59 =	vld [tilespmem:s29+$0x800];
	v7 =	vsub.s32 v7, v8;
	(v2sf) =	vpush v61, $0xF;
	v8, _, _ =	vpop (xrf0)  }
0x7e: {  	s25 =	sadd.s32 $0x80000000, s25;
	s28 =	sadd.s32 s28, s23;
	s23 =	spop (v2sf);
	v62, _, _ =	vpop (xrf0);
	(v2sf) =	vpush v8, $0xF  }
0x7f: {  	p0 =	slt.s32 s25, $0xF0;
	s12 =	sadd.s32 $0x80000000, s28;
	s28 =	spop (v2sf);
	(v2sf) =	vpush v62, $0xF;
	v63, _, _ =	vpop (xrf0)  }
0x80: {  	s25 =	simm.s32 @!p0 $0xF0;
	s24 =	sadd.s32 s31, s24;
	s31 =	spop (v2sf);
	(v2sf) =	vpush v63, $0xF  }
0x81: {  	s1 =	sadd.s32 $0x1, s1;
	s26 =	sadd.s32 $0x800, s26;
	s24 =	sadd.s32 $0x80000000, s24;
	[tilespmem:s25+$0x1000] =	vst.msk vm7, v7  }
0x82: {  	p0 =	slt.s32 s12, $0xF0;
	p1 =	slt.s32 s24, $0xF0;
	s3 =	sadd.s32 s23, s3;
	[tilespmem:s25+$0x1800] =	vst.msk vm7, v59;
	v8 =	vor.u32 s30, v6  }
0x83: {  	s12 =	simm.s32 @!p0 $0xF0;
	s24 =	simm.s32 @!p1 $0xF0;
	s3 =	sadd.s32 $0x80000000, s3;
	[tilespmem:s25+$0x2000] =	vst.msk vm7, v8  }
0x84: {  	s28 =	sadd.s32 s28, s2;
	s31 =	sadd.s32 s31, s21;
	p0 =	slt.s32 s3, $0xF0;
	[tilespmem:s24+$0x1100] =	vst.msk vm6, v7  }
0x85: {  	s28 =	sadd.s32 $0x80000000, s28;
	s3 =	simm.s32 @!p0 $0xF0;
	s30 =	spop (v2sf);
	[tilespmem:s24+$0x1900] =	vst.msk vm6, v59  }
0x86: {  	p1 =	slt.s32 s28, $0xF0;
	s23 =	spop (v2sf);
	s22 =	sadd.s32 s30, s22;
	[tilespmem:s24+$0x2100] =	vst.msk vm6, v8  }
0x87: {  	s2 =	sadd.s32 $0x80000000, s31;
	s22 =	sadd.s32 $0x80000000, s22;
	s29 =	sadd.s32 s23, s15;
	[tilespmem:s3+$0x1200] =	vst.msk vm5, v7  }
0x88: {  	p0 =	slt.s32 s22, $0xF0;
	s15 =	sadd.s32 $0x80000000, s29;
	[tilespmem:s3+$0x1A00] =	vst.msk vm5, v59;
	s30 =	spop (v2sf)  }
0x89: {  	s22 =	simm.s32 @!p0 $0xF0;
	p0 =	slt.s32 s15, $0xF0;
	[tilespmem:s3+$0x2200] =	vst.msk vm5, v8;
	s31 =	spop (v2sf)  }
0x8a: {  	s28 =	simm.s32 @!p1 $0xF0;
	s15 =	simm.s32 @!p0 $0xF0;
	[tilespmem:s22+$0x1300] =	vst.msk vm4, v7;
	s29 =	spop (v2sf)  }
0x8b: {  	p0 =	slt.s32 s2, $0xF0;
	s21 =	sadd.s32 s30, s25;
	[tilespmem:s22+$0x1B00] =	vst.msk vm4, v59;
	s30 =	spop (v2sf)  }
0x8c: {  	s25 =	sadd.s32 $0x80000000, s21;
	s23 =	sadd.s32 s31, s12;
	[tilespmem:s22+$0x2300] =	vst.msk vm4, v8;
	s31 =	spop (v2sf)  }
0x8d: {  	s21 =	sadd.s32 s29, s24;
	[tilespmem:s15+$0x1400] =	vst.msk vm3, v7;
	s3 =	sadd.s32 s30, s3;
	s30 =	spop (v2sf)  }
0x8e: {  	s24 =	sadd.s32 $0x80000000, s21;
	[tilespmem:s15+$0x1C00] =	vst.msk vm3, v59;
	s21 =	sadd.s32 s31, s28;
	s31 =	spop (v2sf)  }
0x8f: {  	s2 =	simm.s32 @!p0 $0xF0;
	[tilespmem:s15+$0x2400] =	vst.msk vm3, v8;
	s22 =	sadd.s32 s31, s22;
	s31 =	spop (v2sf)  }
0x90: {  	p1 =	slt.s32 s24, $0xF0;
	[tilespmem:s2+$0x1500] =	vst.msk vm2, v7;
	s22 =	sadd.s32 $0x80000000, s22;
	s15 =	sadd.s32 s31, s15  }
0x91: {  	s24 =	simm.s32 @!p1 $0xF0;
	[tilespmem:s2+$0x1D00] =	vst.msk vm2, v59;
	p1 =	slt.s32 s22, $0xF0;
	s15 =	sadd.s32 $0x80000000, s15  }
0x92: {  	p0 =	slt.s32 s25, $0xF0;
	[tilespmem:s2+$0x2500] =	vst.msk vm2, v8;
	s22 =	simm.s32 @!p1 $0xF0;
	p1 =	slt.s32 s15, $0xF0  }
0x93: {  	s23 =	sadd.s32 $0x80000000, s23;
	[tilespmem:s28+$0x1600] =	vst.msk vm1, v7;
	s15 =	simm.s32 @!p1 $0xF0;
	p1 =	sne.s32 s1, $0x8  }
.Ltmp2:
0x94: {  	s25 =	simm.s32 @!p0 $0xF0;
	p0 =	slt.s32 s23, $0xF0;
	[tilespmem:s28+$0x1E00] =	vst.msk vm1, v59;
	(pc) =	sbr.rel @p1 .LBB2_4-.Ltmp2, $4  }
0x95: {  	s23 =	simm.s32 @!p0 $0xF0;
	s3 =	sadd.s32 $0x80000000, s3;
	s29 =	sadd.s32 s30, s2;
	[tilespmem:s28+$0x2600] =	vst.msk vm1, v8  }
0x96: {  	p0 =	slt.s32 s3, $0xF0;
	s2 =	sadd.s32 $0x80000000, s21;
	s21 =	sadd.s32 $0x80000000, s29;
	[tilespmem:s12+$0x1700] =	vst.msk vm0, v7  }
0x97: {  	s3 =	simm.s32 @!p0 $0xF0;
	p2 =	slt.s32 s2, $0xF0;
	p0 =	slt.s32 s21, $0xF0;
	[tilespmem:s12+$0x1F00] =	vst.msk vm0, v59  }
0x98: {  	s2 =	simm.s32 @!p2 $0xF0;
	s21 =	simm.s32 @!p0 $0xF0;
	[tilespmem:s12+$0x2700] =	vst.msk vm0, v8;
	s12 =	simm.s32 $0x0  }
0x99: {  	s2 =	simm.s32 $0x0;
	s31 =	rddreg [dreg:$0x2]  }
.LBB2_8:
0x9a: {  	s3 =	sshll.u32 s2, $0x8  }
0x9b: {  	s30 =	sand.u32 $0x3FFFFF00, s3  }
0x9c: {  	s21 =	sand.u32 $0x80, s12;
	s5 =	sadd.s32 $0x1000, s30  }
0x9d: {  	s15 =	sand.u32 $0x70, s12;
	s21 =	sadd.s32 s21, s5  }
0x9e: {  	s25 =	sadd.s32 s15, s21  }
0x9f: {  	v8 =	vld [tilespmem:s25+$0x0]  }
0xa0: {  	s1 =	sshll.u32 s2, $0x11;
	s23 =	sand.u32 $0x200, s12  }
0xa1: {  	s1 =	sor.u32 s11, s1;
	s24 =	sshrl.u32 s23, $0x2  }
0xa2: {  	s23 =	simm.s32 $0x80;
	s22 =	smin.u32 s1, $0xF2200;
	s21 =	simm.s32 $0x10  }
0xa3: {  	s1 =	simm.s32 $0x40;
	v7 =	vmov s22;
	s22 =	sand.u32 $0x70, s21;
	s25 =	sand.u32 $0x80, s21  }
.LBB2_9:
0xa4: {  	p0 =	sne.s32 s23, $0x3C0;
	s25 =	sadd.s32 s25, s5;
	v8 =	vadd.s32 v7, v8;
	s15 =	sor.u32 s15, s24  }
0xa5: {  	s24 =	sadd.s32 s22, s25;
	[tilespmem:s15+$0x4000] =	vst v8;
	s15 =	smov.u32 s22  }
.Ltmp3:
0xa6: {  	v8 =	vld [tilespmem:s24+$0x0];
	(pc) =	sbr.rel @p0 .LBB2_9-.Ltmp3, $4  }
0xa7: {  	_ = 	snop  }
0xa8: {  	s22 =	sand.u32 $0x200, s1;
	s1 =	smov.u32 s23  }
0xa9: {  	s21 =	sadd.s32 $0x10, s21;
	s24 =	sshrl.u32 s22, $0x2  }
0xaa: {  	s25 =	sand.u32 $0x80, s21;
	s23 =	sadd.s32 $0x40, s23;
	s22 =	sand.u32 $0x70, s21  }
0xab: {  	s5 =	sadd.s32 s25, s5;
	v8 =	vadd.s32 v7, v8;
	s15 =	sor.u32 s15, s24  }
0xac: {  	s5 =	sadd.s32 s22, s5;
	[tilespmem:s15+$0x4000] =	vst v8  }
0xad: {  	v8 =	vld [tilespmem:s5+$0x0];
	_ =	sdelay $0x2  }
0xae: {  	s1 =	sand.u32 $0x200, s1  }
0xaf: {  	s1 =	sshrl.u32 s1, $0x2  }
0xb0: {  	s1 =	sor.u32 s22, s1;
	v7 =	vadd.s32 v7, v8  }
0xb1: {  	[tilespmem:s1+$0x4000] =	vst v7;
	s1 =	sadd.s32 $0x2800, s3  }
0xb2: {  	[tilespmem:s1], [sflag:$0x1] =	stream.indirect.gather [hbm4b:s8+s16], $0x1, s17, s16, $0xb8;
	[tilespmem:$0x15100] =	vst v63  }
0xb3: {  	s29 =	sadd.s32 $0x2880, s3  }
0xb4: {  	[tilespmem:s29], [sflag:$0x1] =	stream.indirect.gather [hbm4b:s8+s16], $0x1, s18, s16, $0xb8;
	[tilespmem:$0x15100] =	vst v63  }
0xb5: {  	_ =	swait.ge [sflag:s19], $0x80  }
0xb6: {  	[sflag:s19] =	ssyncset.done $0x0  }
0xb7: {  	s21 =	simm.s32 $0x0;
	[sflag:s19] =	ssyncadd.s32 $0xFFFFFF80  }
0xb8: {  	s30 =	sand.u32 $0x80, s21;
	s5 =	sadd.s32 $0x1800, s3;
	_ =	swait.ge [sflag:s19], $0x80  }
0xb9: {  	s15 =	sand.u32 $0x70, s21;
	s22 =	sadd.s32 s30, s5;
	[sflag:s19] =	ssyncset.done $0x0  }
0xba: {  	s22 =	sadd.s32 s15, s22;
	[sflag:s19] =	ssyncadd.s32 $0xFFFFFF80  }
0xbb: {  	v7 =	vld [tilespmem:s22+$0x0];
	_ =	sdelay $0x1  }
0xbc: {  	s21 =	sand.u32 $0x200, s21  }
0xbd: {  	s23 =	simm.s32 $0x80;
	s24 =	sshrl.u32 s21, $0x2;
	s21 =	simm.s32 $0x10  }
0xbe: {  	s25 =	sand.u32 $0x80, s21;
	s3 =	simm.s32 $0x40;
	s22 =	sand.u32 $0x70, s21  }
.LBB2_11:
0xbf: {  	p0 =	sne.s32 s23, $0x3C0;
	s25 =	sadd.s32 s25, s5;
	v7 =	vadd.s32 $0x61A800, v7;
	s15 =	sor.u32 s15, s24  }
0xc0: {  	s24 =	sadd.s32 s22, s25;
	[tilespmem:s15+$0x4000] =	vst v7;
	s15 =	smov.u32 s22  }
.Ltmp4:
0xc1: {  	v7 =	vld [tilespmem:s24+$0x0];
	(pc) =	sbr.rel @p0 .LBB2_11-.Ltmp4, $4  }
0xc2: {  	_ = 	snop  }
0xc3: {  	s22 =	sand.u32 $0x200, s3;
	s3 =	smov.u32 s23  }
0xc4: {  	s21 =	sadd.s32 $0x10, s21;
	s24 =	sshrl.u32 s22, $0x2  }
0xc5: {  	s25 =	sand.u32 $0x80, s21;
	s23 =	sadd.s32 $0x40, s23;
	s22 =	sand.u32 $0x70, s21  }
0xc6: {  	s5 =	sadd.s32 s25, s5;
	v7 =	vadd.s32 $0x61A800, v7;
	s15 =	sor.u32 s15, s24  }
0xc7: {  	s5 =	sadd.s32 s22, s5;
	[tilespmem:s15+$0x4000] =	vst v7  }
0xc8: {  	v7 =	vld [tilespmem:s5+$0x0];
	_ =	sdelay $0x2  }
0xc9: {  	s3 =	sand.u32 $0x200, s3  }
0xca: {  	s3 =	sshrl.u32 s3, $0x2  }
0xcb: {  	s3 =	sor.u32 s22, s3;
	v7 =	vadd.s32 $0x61A800, v7  }
0xcc: {  	s28 =	simm.s32 $0x3000;
	[tilespmem:s3+$0x4000] =	vst v7  }
0xcd: {  	[tilespmem:s28], [sflag:$0x1] =	stream.indirect.gather [hbm4b:s7+s16], $0x1, s17, s16, $0xb8;
	[tilespmem:$0x15100] =	vst v63  }
0xce: {  	_ = 	snop  }
0xcf: {  	[tilespmem:s20], [sflag:$0x1] =	stream.indirect.gather [hbm4b:s7+s16], $0x1, s18, s16, $0xb8;
	[tilespmem:$0x15100] =	vst v63  }
0xd0: {  	_ =	swait.ge [sflag:s19], $0x80  }
0xd1: {  	[sflag:s19] =	ssyncset.done $0x0  }
0xd2: {  	[sflag:s19] =	ssyncadd.s32 $0xFFFFFF80  }
0xd3: {  	s29 =	simm.s32 $0x0;
	_ =	swait.ge [sflag:s19], $0x80  }
0xd4: {  	s30 =	sand.u32 $0x80, s29;
	[sflag:s19] =	ssyncset.done $0x0  }
0xd5: {  	s15 =	sadd.s32 s30, s1;
	s3 =	sand.u32 $0x70, s29;
	[sflag:s19] =	ssyncadd.s32 $0xFFFFFF80  }
0xd6: {  	s3 =	sadd.s32 s3, s15;
	v7 =	vld [tilespmem:s28+$0x0]  }
0xd7: {  	v8 =	vld [tilespmem:s3+$0x0];
	_ =	sdelay $0x4  }
0xd8: {  	v7 =	vadd.f32 v7, v8;
	_ =	sdelay $0x1  }
0xd9: {  	s21 =	simm.s32 $0x10;
	v7 =	vmul.f32 v7, v0  }
0xda: {  	s22 =	sand.u32 $0x80, s21;
	s5 =	simm.s32 $0x3010;
	s15 =	simm.s32 $0x20  }
.LBB2_13:
0xdb: {  	p0 =	sne.s32 s15, $0xF0;
	s21 =	sand.u32 $0x70, s21;
	s22 =	sadd.s32 s22, s1;
	[tilespmem:s3+$0x0] =	vst v7  }
0xdc: {  	s3 =	sadd.s32 s21, s22;
	v7 =	vld [tilespmem:s5+$0x0];
	s21 =	smov.u32 s15  }
0xdd: {  	v8 =	vld [tilespmem:s3+$0x0];
	_ =	sdelay $0x3  }
.Ltmp5:
0xde: {  	(pc) =	sbr.rel @p0 .LBB2_13-.Ltmp5, $3  }
0xdf: {  	v7 =	vadd.f32 v7, v8;
	_ =	sdelay $0x1  }
0xe0: {  	v7 =	vmul.f32 v7, v0  }
0xe1: {  	s15 =	sadd.s32 $0x10, s15;
	s5 =	sadd.s32 $0x10, s5;
	s22 =	sand.u32 $0x80, s21  }
0xe2: {  	s15 =	sand.u32 $0x70, s21;
	s1 =	sadd.s32 s22, s1;
	[tilespmem:s3+$0x0] =	vst v7  }
0xe3: {  	s1 =	sadd.s32 s15, s1;
	v7 =	vld [tilespmem:s5+$0x0]  }
0xe4: {  	v8 =	vld [tilespmem:s1+$0x0];
	_ =	sdelay $0x2  }
0xe5: {  	s2 =	sadd.s32 $0x1, s2  }
0xe6: {  	p0 =	sne.s32 s2, $0x8  }
.Ltmp6:
0xe7: {  	v7 =	vadd.f32 v7, v8;
	(pc) =	sbr.rel @p0 .LBB2_8-.Ltmp6, $3  }
0xe8: {  	_ = 	snop  }
0xe9: {  	v7 =	vmul.f32 v7, v0;
	_ =	sdelay $0x1  }
0xea: {  	[tilespmem:s1+$0x0] =	vst v7;
	s1 =	simm.s32 $0x0  }
0xeb: {  	s2 =	simm.s32 $0x0;
	s3 =	simm.s32 $0x0  }
.LBB2_16:
0xec: {  	s12 =	sand.u32 $0x7, s3  }
0xed: {  	s24 =	simm.s32 $0x0;
	s15 =	sshll.u32 s12, $0x8  }
0xee: {  	s23 =	sand.u32 $0x80, s24;
	s21 =	sor.u32 $0x1800, s15  }
0xef: {  	s22 =	sand.u32 $0x70, s1;
	s23 =	sadd.s32 s23, s21  }
0xf0: {  	s25 =	sadd.s32 s22, s23  }
0xf1: {  	s5 =	sand.u32 $0x18, s3;
	v7 =	vld [tilespmem:s25+$0x0]  }
0xf2: {  	s5 =	sor.u32 s10, s5  }
0xf3: {  	s26 =	simm.s32 $0x2;
	s15 =	simm.s32 $0x1;
	s28 =	sadd.s32 $0x0, s5  }
0xf4: {  	s28 =	smul.u32 $0x186A0, s28;
	s23 =	simm.s32 $0x10;
	s25 =	simm.s32 $0x10  }
.LBB2_17:
0xf5: {  	p0 =	sne.s32 s26, $0x7F;
	s29 =	sand.u32 $0x80, s25;
	s24 =	sand.u32 $0x3FFFFF80, s24  }
0xf6: {  	s29 =	sadd.s32 s29, s21;
	v7 =	vadd.s32 s28, v7;
	s24 =	sor.u32 s22, s24;
	s22 =	sand.u32 $0x70, s23  }
.Ltmp7:
0xf7: {  	s28 =	sadd.s32 s22, s29;
	[tilespmem:s24+$0x3800] =	vst v7;
	s24 =	smov.u32 s25;
	(pc) =	sbr.rel @p0 .LBB2_17-.Ltmp7, $4  }
0xf8: {  	v7 =	vld [tilespmem:s28+$0x0]  }
0xf9: {  	s25 =	sshrl.u32 s15, $0x4;
	s15 =	smov.u32 s26  }
0xfa: {  	s23 =	sadd.s32 $0x10, s23;
	s28 =	sadd.s32 s5, s25  }
0xfb: {  	s26 =	sadd.s32 $0x1, s26;
	s25 =	sshll.u32 s15, $0x4;
	s28 =	smul.u32 $0x186A0, s28  }
0xfc: {  	s26 =	sand.u32 $0x80, s25;
	s24 =	sand.u32 $0x3FFFFF80, s24  }
0xfd: {  	s23 =	sand.u32 $0x70, s23;
	s21 =	sadd.s32 s26, s21;
	v7 =	vadd.s32 s28, v7;
	s22 =	sor.u32 s22, s24  }
0xfe: {  	[tilespmem:s22+$0x3800] =	vst v7;
	s21 =	sadd.s32 s23, s21  }
0xff: {  	v7 =	vld [tilespmem:s21+$0x0]  }
0x100: {  	s15 =	sshrl.u32 s15, $0x4  }
0x101: {  	s15 =	sadd.s32 s5, s15  }
0x102: {  	s15 =	smul.u32 $0x186A0, s15  }
0x103: {  	s22 =	sand.u32 $0x3FFFFF80, s25  }
0x104: {  	s24 =	sor.u32 s23, s22;
	v7 =	vadd.s32 s15, v7  }
0x105: {  	s26 =	simm.s32 $0x3000;
	s25 =	simm.s32 $0x3800;
	[tilespmem:s24+$0x3800] =	vst v7  }
0x106: {  	[tilespmem:s26], [sflag:$0x1] =	stream.indirect.gather [hbm4b:s7+s16], $0x1, s25, s16, $0xb8;
	[tilespmem:$0x15100] =	vst v63  }
0x107: {  	s28 =	simm.s32 $0x3880  }
0x108: {  	[tilespmem:s20], [sflag:$0x1] =	stream.indirect.gather [hbm4b:s7+s16], $0x1, s28, s16, $0xb8;
	[tilespmem:$0x15100] =	vst v63  }
0x109: {  	s29 =	simm.s32 $0x3900;
	s30 =	simm.s32 $0x3100  }
0x10a: {  	[tilespmem:s30], [sflag:$0x1] =	stream.indirect.gather [hbm4b:s7+s16], $0x1, s29, s16, $0xb8;
	[tilespmem:$0x15100] =	vst v63  }
0x10b: {  	s22 =	simm.s32 $0x3980;
	s23 =	simm.s32 $0x3180  }
0x10c: {  	[tilespmem:s23], [sflag:$0x1] =	stream.indirect.gather [hbm4b:s7+s16], $0x1, s22, s16, $0xb8;
	[tilespmem:$0x15100] =	vst v63  }
0x10d: {  	s24 =	simm.s32 $0x3A00;
	s25 =	simm.s32 $0x3200  }
0x10e: {  	[tilespmem:s25], [sflag:$0x1] =	stream.indirect.gather [hbm4b:s7+s16], $0x1, s24, s16, $0xb8;
	[tilespmem:$0x15100] =	vst v63  }
0x10f: {  	s26 =	simm.s32 $0x3A80;
	s28 =	simm.s32 $0x3280  }
0x110: {  	[tilespmem:s28], [sflag:$0x1] =	stream.indirect.gather [hbm4b:s7+s16], $0x1, s26, s16, $0xb8;
	[tilespmem:$0x15100] =	vst v63  }
0x111: {  	s29 =	simm.s32 $0x3B00;
	s30 =	simm.s32 $0x3300  }
0x112: {  	[tilespmem:s30], [sflag:$0x1] =	stream.indirect.gather [hbm4b:s7+s16], $0x1, s29, s16, $0xb8;
	[tilespmem:$0x15100] =	vst v63  }
0x113: {  	s22 =	simm.s32 $0x3B80;
	s23 =	simm.s32 $0x3380  }
0x114: {  	[tilespmem:s23], [sflag:$0x1] =	stream.indirect.gather [hbm4b:s7+s16], $0x1, s22, s16, $0xb8;
	[tilespmem:$0x15100] =	vst v63  }
0x115: {  	s24 =	simm.s32 $0x3C00;
	s25 =	simm.s32 $0x3400  }
0x116: {  	[tilespmem:s25], [sflag:$0x1] =	stream.indirect.gather [hbm4b:s7+s16], $0x1, s24, s16, $0xb8;
	[tilespmem:$0x15100] =	vst v63  }
0x117: {  	s26 =	simm.s32 $0x3C80;
	s28 =	simm.s32 $0x3480  }
0x118: {  	[tilespmem:s28], [sflag:$0x1] =	stream.indirect.gather [hbm4b:s7+s16], $0x1, s26, s16, $0xb8;
	[tilespmem:$0x15100] =	vst v63  }
0x119: {  	s29 =	simm.s32 $0x3D00;
	s30 =	simm.s32 $0x3500  }
0x11a: {  	[tilespmem:s30], [sflag:$0x1] =	stream.indirect.gather [hbm4b:s7+s16], $0x1, s29, s16, $0xb8;
	[tilespmem:$0x15100] =	vst v63  }
0x11b: {  	s12 =	sshll.u32 s12, $0x11;
	s21 =	simm.s32 $0x3D80;
	s22 =	simm.s32 $0x3580  }
0x11c: {  	[tilespmem:s22], [sflag:$0x1] =	stream.indirect.gather [hbm4b:s7+s16], $0x1, s21, s16, $0xb8;
	[tilespmem:$0x15100] =	vst v63  }
0x11d: {  	s12 =	sor.u32 s11, s12;
	s23 =	simm.s32 $0x3E00;
	s24 =	simm.s32 $0x3600  }
0x11e: {  	[tilespmem:s24], [sflag:$0x1] =	stream.indirect.gather [hbm4b:s7+s16], $0x1, s23, s16, $0xb8;
	[tilespmem:$0x15100] =	vst v63  }
0x11f: {  	s12 =	smin.u32 s12, $0xF2200;
	s25 =	simm.s32 $0x3E80;
	s26 =	simm.s32 $0x3680  }
0x120: {  	[tilespmem:s26], [sflag:$0x1] =	stream.indirect.gather [hbm4b:s7+s16], $0x1, s25, s16, $0xb8;
	[tilespmem:$0x15100] =	vst v63  }
0x121: {  	s28 =	simm.s32 $0x3F00;
	s29 =	simm.s32 $0x3700;
	s30 =	sshrl.u32 s5, $0x3  }
0x122: {  	[tilespmem:s29], [sflag:$0x1] =	stream.indirect.gather [hbm4b:s7+s16], $0x1, s28, s16, $0xb8;
	[tilespmem:$0x15100] =	vst v63  }
0x123: {  	s12 =	sadd.s32 s31, s12;
	s15 =	smul.u32 $0xF4280, s30  }
0x124: {  	[tilespmem:s6], [sflag:$0x1] =	stream.indirect.gather [hbm4b:s7+s16], $0x1, s0, s16, $0xb8;
	[tilespmem:$0x15100] =	vst v63  }
0x125: {  	s15 =	sadd.s32 s15, s12;
	s12 =	simm.s32 $0x0  }
0x126: {  	[tilespmem:s4], [sflag:$0x2] =	stream.linear.gather [hbm4b:s15+s12], $0x10000, $0x38;
	[tilespmem:$0x15100] =	vst v63  }
0x127: {  	_ =	swait.ge [sflag:s14], $0x10000  }
0x128: {  	[sflag:s14] =	ssyncset.done $0x0  }
0x129: {  	[sflag:s14] =	ssyncadd.s32 $0xFFFF0000  }
0x12a: {  	_ =	swait.ge [sflag:s19], $0x80  }
0x12b: {  	[sflag:s19] =	ssyncset.done $0x0  }
0x12c: {  	[sflag:s19] =	ssyncadd.s32 $0xFFFFFF80  }
0x12d: {  	_ =	swait.ge [sflag:s19], $0x80  }
0x12e: {  	[sflag:s19] =	ssyncset.done $0x0  }
0x12f: {  	[sflag:s19] =	ssyncadd.s32 $0xFFFFFF80  }
0x130: {  	_ =	swait.ge [sflag:s19], $0x80  }
0x131: {  	[sflag:s19] =	ssyncset.done $0x0  }
0x132: {  	[sflag:s19] =	ssyncadd.s32 $0xFFFFFF80  }
0x133: {  	_ =	swait.ge [sflag:s19], $0x80  }
0x134: {  	[sflag:s19] =	ssyncset.done $0x0  }
0x135: {  	[sflag:s19] =	ssyncadd.s32 $0xFFFFFF80  }
0x136: {  	_ =	swait.ge [sflag:s19], $0x80  }
0x137: {  	[sflag:s19] =	ssyncset.done $0x0  }
0x138: {  	[sflag:s19] =	ssyncadd.s32 $0xFFFFFF80  }
0x139: {  	_ =	swait.ge [sflag:s19], $0x80  }
0x13a: {  	[sflag:s19] =	ssyncset.done $0x0  }
0x13b: {  	[sflag:s19] =	ssyncadd.s32 $0xFFFFFF80  }
0x13c: {  	_ =	swait.ge [sflag:s19], $0x80  }
0x13d: {  	[sflag:s19] =	ssyncset.done $0x0  }
0x13e: {  	[sflag:s19] =	ssyncadd.s32 $0xFFFFFF80  }
0x13f: {  	_ =	swait.ge [sflag:s19], $0x80  }
0x140: {  	[sflag:s19] =	ssyncset.done $0x0  }
0x141: {  	[sflag:s19] =	ssyncadd.s32 $0xFFFFFF80  }
0x142: {  	_ =	swait.ge [sflag:s19], $0x80  }
0x143: {  	[sflag:s19] =	ssyncset.done $0x0  }
0x144: {  	[sflag:s19] =	ssyncadd.s32 $0xFFFFFF80  }
0x145: {  	_ =	swait.ge [sflag:s19], $0x80  }
0x146: {  	[sflag:s19] =	ssyncset.done $0x0  }
0x147: {  	[sflag:s19] =	ssyncadd.s32 $0xFFFFFF80  }
0x148: {  	_ =	swait.ge [sflag:s19], $0x80  }
0x149: {  	[sflag:s19] =	ssyncset.done $0x0  }
0x14a: {  	[sflag:s19] =	ssyncadd.s32 $0xFFFFFF80  }
0x14b: {  	_ =	swait.ge [sflag:s19], $0x80  }
0x14c: {  	[sflag:s19] =	ssyncset.done $0x0  }
0x14d: {  	[sflag:s19] =	ssyncadd.s32 $0xFFFFFF80  }
0x14e: {  	_ =	swait.ge [sflag:s19], $0x80  }
0x14f: {  	[sflag:s19] =	ssyncset.done $0x0  }
0x150: {  	[sflag:s19] =	ssyncadd.s32 $0xFFFFFF80  }
0x151: {  	_ =	swait.ge [sflag:s19], $0x80  }
0x152: {  	[sflag:s19] =	ssyncset.done $0x0  }
0x153: {  	[sflag:s19] =	ssyncadd.s32 $0xFFFFFF80  }
0x154: {  	_ =	swait.ge [sflag:s19], $0x80  }
0x155: {  	[sflag:s19] =	ssyncset.done $0x0  }
0x156: {  	[sflag:s19] =	ssyncadd.s32 $0xFFFFFF80  }
0x157: {  	_ =	swait.ge [sflag:s19], $0x80  }
0x158: {  	[sflag:s19] =	ssyncset.done $0x0  }
0x159: {  	s15 =	simm.s32 $0x0;
	[sflag:s19] =	ssyncadd.s32 $0xFFFFFF80  }
.LBB2_19:
0x15a: {  	s21 =	sadd.s32 $0x0, s2  }
0x15b: {  	s26 =	sand.u32 $0x70, s12;
	s21 =	sand.u32 $0x780, s21  }
0x15c: {  	s21 =	sor.u32 s26, s21  }
0x15d: {  	v9 =	vld [tilespmem:s21+$0x1000];
	_ =	sdelay $0x1  }
0x15e: {  	s22 =	sadd.s32 s5, s15  }
0x15f: {  	v8 =	vmov s15;
	s22 =	sshll.u32 s22, $0x6  }
0x160: {  	v8 =	vshll.u32 v8, $0x7;
	v7 =	vmov s22  }
0x161: {  	v8 =	vand.u32 $0x380, v8;
	vm0 =	vlt.s32 v9, $0x1FFF;
	v10 =	vadd.s32 $0xFFFFE000, v9  }
0x162: {  	v8 =	vbroadcast v8, $0x0;
	v9 =	vnsel vm0, $0x1FFF, v9;
	vm0 =	vlt.s32 v10, $0x0  }
0x163: {  	v11 =	vand.u32 $0x7F, v9;
	v10 =	vsel vm0, $0x0, v10;
	v9 =	vshll.u32 v9, $0x3  }
0x164: {  	v10 =	vadd.s32 v7, v10;
	v9 =	vand.u32 $0xFFFFFC00, v9;
	v11 =	vor.u32 v8, v11  }
0x165: {  	s24 =	simm.s32 $0x10;
	s25 =	sadd.s32 $0x10, s2;
	v9 =	vor.u32 v9, v11  }
0x166: {  	s23 =	sshll.u32 s15, $0x8;
	s22 =	sand.u32 $0x780, s25;
	s25 =	sand.u32 $0x70, s24  }
0x167: {  	s28 =	sand.u32 $0x3FFFFF00, s23;
	s23 =	sor.u32 s25, s22  }
0x168: {  	s22 =	sadd.s32 $0x3000, s28;
	s28 =	sand.u32 $0x80, s12;
	v11 =	vld [tilespmem:s23+$0x1000]  }
0x169: {  	s28 =	sadd.s32 s28, s22;
	v10 =	vld.idx.msk [tilespmem:v10+s13+$0x0], $0xffff  }
0x16a: {  	s26 =	sadd.s32 s26, s28;
	v9 =	vld.idx.msk [tilespmem:v9+s4+$0x0], $0xffff  }
0x16b: {  	v12 =	vld [tilespmem:s26+$0x0];
	_ =	sdelay $0x1  }
0x16c: {  	vm1 =	vlt.s32 v11, $0x1FFF  }
0x16d: {  	v13 =	vld [tilespmem:s21+$0x2800];
	vm0 =	vmmov vm0;
	v14 =	vadd.s32 $0xFFFFE000, v11;
	v11 =	vnsel vm1, $0x1FFF, v11  }
0x16e: {  	vm1 =	vlt.s32 v14, $0x0;
	v15 =	vand.u32 $0x7F, v11;
	v9 =	vsel vm0, v9, v10  }
0x16f: {  	v11 =	vshll.u32 v11, $0x3;
	v10 =	vsel vm1, $0x0, v14;
	v12 =	vmul.f32 v12, v9  }
0x170: {  	v9 =	vadd.s32 v7, v10;
	v10 =	vand.u32 $0xFFFFFC00, v11;
	v11 =	vor.u32 v8, v15  }
0x171: {  	s28 =	sadd.s32 $0x20, s2;
	s26 =	simm.s32 $0x20;
	v10 =	vor.u32 v10, v11  }
0x172: {  	s29 =	simm.s32 $0x30;
	s30 =	sand.u32 $0x780, s28;
	s28 =	sand.u32 $0x70, s26;
	vm0 =	vmmov vm1;
	v11 =	vadd.f32 v12, v13  }
.LBB2_20:
0x173: {  	p0 =	sne.s32 s29, $0xF0;
	s30 =	sor.u32 s28, s30  }
0x174: {  	v12 =	vld [tilespmem:s30+$0x1000];
	[tilespmem:s21+$0x2800] =	vst v11;
	s21 =	smov.u32 s23;
	s23 =	smov.u32 s30  }
0x175: {  	s30 =	sand.u32 $0x80, s24;
	s24 =	smov.u32 s26;
	s26 =	smov.u32 s29;
	v11 =	vld.idx.msk [tilespmem:v9+s13+$0x0], $0xffff  }
0x176: {  	s30 =	sadd.s32 s30, s22;
	v10 =	vld.idx.msk [tilespmem:v10+s4+$0x0], $0xffff  }
0x177: {  	s30 =	sadd.s32 s25, s30;
	s25 =	smov.u32 s28  }
0x178: {  	v13 =	vld [tilespmem:s30+$0x0]  }
0x179: {  	vm1 =	vlt.s32 v12, $0x1FFF;
	v9 =	vadd.s32 $0xFFFFE000, v12  }
0x17a: {  	v12 =	vnsel vm1, $0x1FFF, v12;
	vm1 =	vlt.s32 v9, $0x0;
	v14 =	vld [tilespmem:s21+$0x2800]  }
.Ltmp8:
0x17b: {  	v15 =	vand.u32 $0x7F, v12;
	v9 =	vsel vm1, $0x0, v9;
	(pc) =	sbr.rel @p0 .LBB2_20-.Ltmp8, $4  }
0x17c: {  	v12 =	vshll.u32 v12, $0x3;
	v10 =	vsel vm0, v10, v11;
	v9 =	vadd.s32 v7, v9  }
0x17d: {  	v11 =	vand.u32 $0xFFFFFC00, v12;
	v12 =	vor.u32 v8, v15;
	v13 =	vmul.f32 v13, v10  }
0x17e: {  	s28 =	sadd.s32 s29, s2;
	vm0 =	vmmov vm1;
	v10 =	vor.u32 v11, v12  }
0x17f: {  	s29 =	sadd.s32 $0x10, s29;
	s30 =	sand.u32 $0x780, s28;
	s28 =	sand.u32 $0x70, s26;
	v11 =	vadd.f32 v13, v14  }
0x180: {  	_ =	sdelay $0x1  }
0x181: {  	s29 =	sor.u32 s28, s30  }
0x182: {  	s24 =	sand.u32 $0x80, s24;
	v12 =	vld [tilespmem:s29+$0x1000];
	[tilespmem:s21+$0x2800] =	vst v11  }
0x183: {  	s21 =	sadd.s32 s24, s22;
	v9 =	vld.idx.msk [tilespmem:v9+s13+$0x0], $0xffff  }
0x184: {  	v10 =	vld.idx.msk [tilespmem:v10+s4+$0x0], $0xffff;
	s21 =	sadd.s32 s25, s21  }
0x185: {  	v11 =	vld [tilespmem:s21+$0x0];
	_ =	sdelay $0x1  }
0x186: {  	vm1 =	vlt.s32 v12, $0x1FFF  }
0x187: {  	v14 =	vld [tilespmem:s23+$0x2800];
	v13 =	vadd.s32 $0xFFFFE000, v12;
	v12 =	vnsel vm1, $0x1FFF, v12  }
0x188: {  	vm14 =	vlt.s32 v13, $0x0;
	v9 =	vsel vm0, v10, v9;
	v15 =	vand.u32 $0x7F, v12  }
0x189: {  	v13 =	vsel vm14, $0x0, v13;
	v12 =	vshll.u32 v12, $0x3;
	v9 =	vmul.f32 v11, v9  }
0x18a: {  	v7 =	vadd.s32 v7, v13;
	v62 =	vand.u32 $0xFFFFFC00, v12;
	v8 =	vor.u32 v8, v15  }
0x18b: {  	v8 =	vor.u32 v62, v8  }
0x18c: {  	v9 =	vadd.f32 v9, v14;
	_ =	sdelay $0x1  }
0x18d: {  	s30 =	sand.u32 $0x80, s26;
	[tilespmem:s23+$0x2800] =	vst v9  }
0x18e: {  	s21 =	sadd.s32 s30, s22;
	v7 =	vld.idx.msk [tilespmem:v7+s13+$0x0], $0xffff  }
0x18f: {  	s21 =	sadd.s32 s28, s21;
	v8 =	vld.idx.msk [tilespmem:v8+s4+$0x0], $0xffff  }
0x190: {  	v9 =	vld [tilespmem:s21+$0x0];
	_ =	sdelay $0x1  }
0x191: {  	v63 =	vld [tilespmem:s29+$0x2800]  }
0x192: {  	s15 =	sadd.s32 $0x1, s15;
	vm15 =	vmmov vm14  }
0x193: {  	p0 =	sne.s32 s15, $0x8;
	v7 =	vsel vm15, v8, v7  }
.Ltmp9:
0x194: {  	v7 =	vmul.f32 v9, v7;
	(pc) =	sbr.rel @p0 .LBB2_19-.Ltmp9, $3  }
0x195: {  	_ = 	snop  }
0x196: {  	v7 =	vadd.f32 v7, v63;
	_ =	sdelay $0x1  }
0x197: {  	[tilespmem:s29+$0x2800] =	vst v7  }
0x198: {  	s3 =	sadd.s32 $0x1, s3  }
0x199: {  	p0 =	sne.s32 s3, $0x20  }
.Ltmp10:
0x19a: {  	_ = 	snop;
	(pc) =	sbr.rel @p0 .LBB2_16-.Ltmp10, $2  }
0x19b: {  	_ =	sdelay $0x2  }
0x19c: {  	s2 =	sadd.s32 $0x100, s2;
	s5 =	simm.s32 $0x0  }
0x19d: {  	s1 =	simm.s32 $0x0  }
.LBB2_24:
0x19e: {  	s2 =	sshll.u32 s1, $0xA  }
0x19f: {  	s2 =	sshrl.u32 s2, $0x2  }
0x1a0: {  	s21 =	sand.u32 $0x80, s5;
	s12 =	sadd.s32 $0x2000, s2  }
0x1a1: {  	s15 =	sand.u32 $0x70, s5;
	s21 =	sadd.s32 s21, s12  }
0x1a2: {  	s23 =	sadd.s32 s15, s21  }
0x1a3: {  	v7 =	vld [tilespmem:s23+$0x0];
	_ =	sdelay $0x1  }
0x1a4: {  	s22 =	sand.u32 $0x200, s5  }
0x1a5: {  	s3 =	simm.s32 $0x40;
	s24 =	sshrl.u32 s22, $0x2;
	s21 =	simm.s32 $0x10  }
0x1a6: {  	s22 =	sand.u32 $0x70, s21;
	s25 =	sand.u32 $0x80, s21;
	s23 =	simm.s32 $0x80  }
.LBB2_25:
0x1a7: {  	p0 =	sne.s32 s23, $0x3C0;
	s25 =	sadd.s32 s25, s12;
	v7 =	vadd.s32 v1, v7;
	s15 =	sor.u32 s15, s24  }
0x1a8: {  	s24 =	sadd.s32 s22, s25;
	[tilespmem:s15+$0x4000] =	vst v7;
	s15 =	smov.u32 s22  }
.Ltmp11:
0x1a9: {  	v7 =	vld [tilespmem:s24+$0x0];
	(pc) =	sbr.rel @p0 .LBB2_25-.Ltmp11, $4  }
0x1aa: {  	_ = 	snop  }
0x1ab: {  	s22 =	sand.u32 $0x200, s3;
	s3 =	smov.u32 s23  }
0x1ac: {  	s21 =	sadd.s32 $0x10, s21;
	s24 =	sshrl.u32 s22, $0x2  }
0x1ad: {  	s25 =	sand.u32 $0x80, s21;
	s23 =	sadd.s32 $0x40, s23;
	s22 =	sand.u32 $0x70, s21  }
0x1ae: {  	s12 =	sadd.s32 s25, s12;
	v7 =	vadd.s32 v1, v7;
	s15 =	sor.u32 s15, s24  }
0x1af: {  	s12 =	sadd.s32 s22, s12;
	[tilespmem:s15+$0x4000] =	vst v7  }
0x1b0: {  	v7 =	vld [tilespmem:s12+$0x0];
	_ =	sdelay $0x2  }
0x1b1: {  	s3 =	sand.u32 $0x200, s3  }
0x1b2: {  	s3 =	sshrl.u32 s3, $0x2  }
0x1b3: {  	s3 =	sor.u32 s22, s3;
	v7 =	vadd.s32 v1, v7  }
0x1b4: {  	s30 =	sadd.s32 $0x2800, s2;
	[tilespmem:s3+$0x4000] =	vst v7  }
0x1b5: {  	[hbm4b:s9+s16] =	stream.indirect.scatter [tilespmem:s30], [sflag:$0x1], $0x1, s17, s16, $0xb8;
	[tilespmem:$0x15100] =	vst v63  }
0x1b6: {  	s31 =	sadd.s32 $0x2880, s2;
	s1 =	sadd.s32 $0x1, s1  }
0x1b7: {  	[hbm4b:s9+s16] =	stream.indirect.scatter [tilespmem:s31], [sflag:$0x1], $0x1, s18, s16, $0xb8;
	[tilespmem:$0x15100] =	vst v63  }
0x1b8: {  	p0 =	sne.s32 s1, $0x8;
	_ =	swait.ge [sflag:s19], $0x80  }
.Ltmp12:
0x1b9: {  	[sflag:s19] =	ssyncset.done $0x0;
	(pc) =	sbr.rel @p0 .LBB2_24-.Ltmp12, $4  }
0x1ba: {  	[sflag:s19] =	ssyncadd.s32 $0xFFFFFF80  }
0x1bb: {  	_ =	swait.ge [sflag:s19], $0x80  }
0x1bc: {  	[sflag:s19] =	ssyncset.done $0x0  }
0x1bd: {  	[sflag:s19] =	ssyncadd.s32 $0xFFFFFF80  }
0x1be: {  	s2 =	rddreg [dreg:$0x7]  }
0x1bf: {  	s1 =	rddreg [dreg:$0x6];
	s2 =	sadd.s32 $0x1, s2  }
0x1c0: {  	p0 =	sne.s32 s2, s1  }
.Ltmp13:
0x1c1: {  	_ = 	snop;
	(pc) =	sbr.rel @p0 .LBB2_1-.Ltmp13, $1  }
0x1c2: {  	_ =	sdelay $0x3  }
0x1c3: {  	_ =	sfence.sel $0x180000  }
0x1c4: {  	[bflag:$0x0] =	sbarrier.arrive $0xFFFF  }
0x1c5: {  	_ =	strace $0x90000047  }
0x1c6: {  	s0 =	stileid.u32;
	[bflag:$0x2] =	sbarrier.arrive $0xFFFF  }
0x1c7: {  	p0 =	sne.s32 s0, $0x0;
	s0 =	rddreg [dreg:$0x5]  }
0x1c8: {  	s0 =	sadd.s32 @!p0 $0x100000, s0  }
0x1c9: {  	[sflag:s0] =	ssyncadd.tile.s32 @!p0 $0x1;
	_ =	shalt  }
.Lfunc_end2:
_tile_overlayer_lowered:
.L_overlay_start_2:
0x1ca: {  	(tag) =	ssettag $0x2  }
0x1cb: {  	s0 =	rddreg [dreg:$0x0];
	s2 =	stileid.u32  }
0x1cc: {  	s1 =	rddreg [dreg:$0x1];
	p0 =	sne.s32 s2, $0x0  }
0x1cd: {  	s3 =	rddreg [dreg:$0x2];
	[bflag:$0x3] =	sbarrier.arrive $0xFFFF;
	s2 =	simm.s32 @!p0 $0x1C02  }
0x1ce: {  	[timem:s3], [sflag:s2] =	dma.local @!p0 [hbm:s0], s1  }
0x1cf: {  	s0 =	simm.s32 @!p0 $0x2  }
0x1d0: {  	_ =	swait.ge @!p0 [sflag:s0], s1  }
0x1d1: {  	s1 =	ssub.s32 @!p0 $0x0, s1;
	[sflag:s0] =	ssyncset.done @!p0 $0x0  }
0x1d2: {  	[sflag:s0] =	ssyncadd.s32 @!p0 s1  }
0x1d3: {  	[bflag:$0x3] =	sbarrier.arrive $0xFFFF  }
0x1d4: {  	_ =	shalt  }

</sc_bundles>
